<compile_context>
chip_gen: v7x
topology: tpu7x:2x2x1
jax: 0.10.2.dev20260603
libtpu: 0.0.44.dev20260713+nightly
codegen_flags: <defaults>
</compile_context>

<pallas_src>
import functools

import jax
import jax.numpy as jnp
from jax import lax
from jax.experimental import pallas as pl
from jax.experimental.pallas import tpu as pltpu
from jax.experimental.pallas import tpu_sc as plsc

_L = 32
_CH = 256
_NSUB = 16
_NCORE = 2


def _encode_body(x_ref, wn_ref, ws_ref, wd_ref, ne_ref, ps_ref, pd_ref):
    x = x_ref[...]
    y = jnp.dot(x, wn_ref[...], preferred_element_type=jnp.float32, precision=lax.Precision.HIGHEST)
    ne = jnp.where(y >= 0, y, 0.01 * y)
    ne_ref[...] = ne
    ps_ref[...] = jnp.dot(ne, ws_ref[...], preferred_element_type=jnp.float32, precision=lax.Precision.HIGHEST)
    pd_ref[...] = jnp.dot(ne, wd_ref[...], preferred_element_type=jnp.float32, precision=lax.Precision.HIGHEST)


def _encode(x, wn, ws, wd, bn):
    n, nfl = x.shape
    grid = n // bn
    out = jax.ShapeDtypeStruct((n, _L), jnp.float32)
    return pl.pallas_call(
        _encode_body,
        grid=(grid,),
        in_specs=[
            pl.BlockSpec((bn, nfl), lambda i: (i, 0)),
            pl.BlockSpec((nfl, _L), lambda i: (0, 0)),
            pl.BlockSpec((_L, _L), lambda i: (0, 0)),
            pl.BlockSpec((_L, _L), lambda i: (0, 0)),
        ],
        out_specs=[
            pl.BlockSpec((bn, _L), lambda i: (i, 0)),
            pl.BlockSpec((bn, _L), lambda i: (i, 0)),
            pl.BlockSpec((bn, _L), lambda i: (i, 0)),
        ],
        out_shape=[out, out, out],
    )(x, wn, ws, wd)


def _decode_body(n_total, ne_ref, ag_ref, wu1_ref, wu2_ref, wd1_ref, wd2_ref,
                 wt_ref, out_ref, lat_ref, term_ref, acc_ref):
    i = pl.program_id(0)
    ng = pl.num_programs(0)
    ne = ne_ref[...]
    ag = ag_ref[...]
    lat = jnp.dot(ne, wu1_ref[...], preferred_element_type=jnp.float32, precision=lax.Precision.HIGHEST)
    lat += jnp.dot(ag, wu2_ref[...], preferred_element_type=jnp.float32, precision=lax.Precision.HIGHEST)
    lat = jnp.maximum(lat, 0.0)
    lat_ref[...] = lat
    out_ref[...] = (jnp.dot(ne, wd1_ref[...], preferred_element_type=jnp.float32, precision=lax.Precision.HIGHEST)
                    + jnp.dot(lat, wd2_ref[...], preferred_element_type=jnp.float32, precision=lax.Precision.HIGHEST))

    @pl.when(i == 0)
    def _():
        acc_ref[...] = jnp.zeros_like(acc_ref)

    bn = lat.shape[0]
    acc_ref[...] += jnp.sum(lat.reshape(bn // 8, 8, _L), axis=0)

    @pl.when(i == ng - 1)
    def _():
        t = jnp.sum(acc_ref[...] * wt_ref[...]) / n_total
        term_ref[...] = jnp.full((1, 1), t, jnp.float32)


def _decode(ne, agg, wu1, wu2, wd1, wd2, wt, bn):
    n = ne.shape[0]
    nf = wd1.shape[1]
    grid = n // bn
    return pl.pallas_call(
        functools.partial(_decode_body, float(n)),
        grid=(grid,),
        in_specs=[
            pl.BlockSpec((bn, _L), lambda i: (i, 0)),
            pl.BlockSpec((bn, _L), lambda i: (i, 0)),
            pl.BlockSpec((_L, _L), lambda i: (0, 0)),
            pl.BlockSpec((_L, _L), lambda i: (0, 0)),
            pl.BlockSpec((_L, nf), lambda i: (0, 0)),
            pl.BlockSpec((_L, nf), lambda i: (0, 0)),
            pl.BlockSpec((1, _L), lambda i: (0, 0)),
        ],
        out_specs=[
            pl.BlockSpec((bn, nf), lambda i: (i, 0)),
            pl.BlockSpec((bn, _L), lambda i: (i, 0)),
            pl.BlockSpec((1, 1), lambda i: (0, 0)),
        ],
        out_shape=[
            jax.ShapeDtypeStruct((n, nf), jnp.float32),
            jax.ShapeDtypeStruct((n, _L), jnp.float32),
            jax.ShapeDtypeStruct((1, 1), jnp.float32),
        ],
        scratch_shapes=[pltpu.VMEM((8, _L), jnp.float32)],
    )(ne, agg, wu1, wu2, wd1, wd2, wt)


def _sc_edge(ps, pd, src2, dst2, ef1, ab, zrows, half, half_pad, cpt):
    n = ps.shape[0]
    mesh = plsc.VectorSubcoreMesh(core_axis_name="c", subcore_axis_name="s")
    zchunk = half_pad // _NSUB
    wchunk = -(-(half // _NSUB) // 8) * 8
    wlast = half - (_NSUB - 1) * wchunk
    nsg = _CH // 128

    @functools.partial(
        pl.kernel,
        mesh=mesh,
        out_type=jax.ShapeDtypeStruct((n, _L), jnp.float32),
        compiler_params=pltpu.CompilerParams(needs_layout_passes=False,
                                             use_tc_tiling_on_sc=False),
        scratch_types=[
            pltpu.VMEM_SHARED((half_pad, _L), jnp.float32),
            pltpu.VMEM((nsg, 128), jnp.int32),
            pltpu.VMEM((nsg, 128), jnp.int32),
            pltpu.VMEM((_CH,), jnp.float32),
            pltpu.VMEM((_CH, _L), jnp.float32),
            pltpu.VMEM((_CH, _L), jnp.float32),
            pltpu.VMEM((nsg, 128), jnp.int32),
            pltpu.VMEM((4, 16), jnp.float32),
            pltpu.SemaphoreType.DMA,
        ],
    )
    def edge_kernel(ps_hbm, pd_hbm, src_hbm, dst_hbm, ef_hbm, ab_hbm, z_hbm,
                    out_hbm, agg, sidx, didx, efb, gs, msg, lidx, abv,
                    gsem):
        c = lax.axis_index("c")
        s = lax.axis_index("s")
        node_base = c * half

        pltpu.sync_copy(z_hbm, agg.at[pl.ds(s * zchunk, zchunk)])
        pltpu.sync_copy(ab_hbm, abv)
        plsc.subcore_barrier()

        a0 = abv[0, :]
        a1 = abv[1, :]
        b0 = abv[2, :]
        b1 = abv[3, :]

        row_base = s * (cpt * nsg)

        def chunk_body(k, carry):
            roff = row_base + k * nsg
            pltpu.sync_copy(src_hbm.at[pl.ds(roff, nsg)], sidx)
            pltpu.sync_copy(dst_hbm.at[pl.ds(roff, nsg)], didx)
            pltpu.sync_copy(ef_hbm.at[pl.ds(roff * 128, _CH)], efb)

            descs = []
            for j in range(nsg):
                descs.append(pltpu.async_copy(
                    ps_hbm.at[sidx.at[j]], gs.at[pl.ds(j * 128, 128)], gsem))
                descs.append(pltpu.async_copy(
                    pd_hbm.at[didx.at[j]], msg.at[pl.ds(j * 128, 128)], gsem))

            for j in range(nsg):
                for g in range(8):
                    d = didx[j, pl.ds(g * 16, 16)]
                    loc = d - node_base
                    oob = (loc < 0) | (loc >= half)
                    lidx[j, pl.ds(g * 16, 16)] = jnp.where(oob, half, loc)

            for dsc in descs:
                dsc.wait()

            def edge_body(e, carry2):
                efv = plsc.load_gather(efb, [jnp.full((16,), e, jnp.int32)])
                cond = efv >= 0.0
                q0 = efv * jnp.where(cond, a0, b0)
                q1 = efv * jnp.where(cond, a1, b1)
                s0 = gs[e, pl.ds(0, 16)] + msg[e, pl.ds(0, 16)]
                s1 = gs[e, pl.ds(16, 16)] + msg[e, pl.ds(16, 16)]
                msg[e, pl.ds(0, 16)] = jnp.maximum(s0 + q0, 0.0)
                msg[e, pl.ds(16, 16)] = jnp.maximum(s1 + q1, 0.0)
                return carry2

            lax.fori_loop(0, _CH, edge_body, 0)

            for j in range(nsg):
                pltpu.sync_copy(msg.at[pl.ds(j * 128, 128)],
                                agg.at[lidx.at[j]], add=True)
            return carry

        lax.fori_loop(0, cpt, chunk_body, 0)
        plsc.subcore_barrier()

        @pl.when(s < _NSUB - 1)
        def _():
            pltpu.sync_copy(agg.at[pl.ds(s * wchunk, wchunk)],
                            out_hbm.at[pl.ds(node_base + s * wchunk, wchunk)])

        @pl.when(s == _NSUB - 1)
        def _():
            base = (_NSUB - 1) * wchunk
            pltpu.sync_copy(agg.at[pl.ds(base, wlast)],
                            out_hbm.at[pl.ds(node_base + base, wlast)])

    return edge_kernel(ps, pd, src2, dst2, ef1, ab, zrows)


def kernel(node_features, edge_features, edge_index, last_latent,
           W_node, W_edge, W_msg, W_upd, W_dec, W_term):
    n = node_features.shape[0]
    e = edge_features.shape[0]
    f32 = jnp.float32

    half = n // 2
    half_pad = half + 8 * _NSUB
    cpt = -(-e // (_NSUB * _CH))
    e_pad = _NSUB * cpt * _CH

    x = jnp.concatenate([node_features, last_latent], axis=1)
    ws, wd, we = W_msg[:_L], W_msg[_L:2 * _L], W_msg[2 * _L:]
    ne, ps, pd = _encode(x, W_node, ws, wd, bn=2000)

    w = W_edge[0]
    u = jnp.where(w >= 0, w, 0.01 * w)
    v = jnp.where(w < 0, w, 0.01 * w)
    a = jnp.dot(u, we, precision=lax.Precision.HIGHEST)
    b = jnp.dot(v, we, precision=lax.Precision.HIGHEST)
    ab = jnp.concatenate([a, b]).reshape(4, 16)

    pad = e_pad - e
    src = jnp.concatenate([edge_index[0], jnp.zeros((pad,), jnp.int32)])
    dst = jnp.concatenate([edge_index[1], jnp.full((pad,), n, jnp.int32)])
    ef = jnp.concatenate([edge_features[:, 0], jnp.zeros((pad,), f32)])
    src2 = src.reshape(-1, 128)
    dst2 = dst.reshape(-1, 128)
    zrows = jnp.zeros((half_pad // _NSUB, _L), f32)

    agg = _sc_edge(ps, pd, src2, dst2, ef, ab, zrows, half, half_pad, cpt)

    out, lat, term = _decode(ne, agg, W_upd[:_L], W_upd[_L:], W_dec[:_L],
                             W_dec[_L:], W_term.reshape(1, _L), bn=2000)
    return (out, lat, term.reshape(1))

# --- scband reference (transcript-rebuilt; emitter-appended) ---
"""Pipeline reference for scband-bfsnetwork-41815801594407 (READ-ONLY COPY).

The authoritative reference and input builder live on the scoring server;
editing this copy changes nothing except your own understanding.
"""

import jax, jax.numpy as jnp
import numpy as np

N = 100000
E = 1600000
NF = 1
EF = 1
L = 32


def setup_inputs(seed: int = 0) -> dict:
    key = jax.random.key(seed)
    ks = jax.random.split(key, 10)
    node_features = jax.random.normal(ks[0], (N, NF), dtype=jnp.float32)
    edge_features = jax.random.normal(ks[1], (E, EF), dtype=jnp.float32)
    edge_index = jax.random.randint(ks[2], (2, E), 0, N, dtype=jnp.int32)
    last_latent = jax.random.normal(ks[3], (N, L), dtype=jnp.float32)
    # learned parameters (bias=False everywhere)
    W_node = jax.random.normal(ks[4], (NF + L, L), dtype=jnp.float32) * (1.0 / np.sqrt(NF + L))
    W_edge = jax.random.normal(ks[5], (EF, L), dtype=jnp.float32) * (1.0 / np.sqrt(EF))
    W_msg = jax.random.normal(ks[6], (3 * L, L), dtype=jnp.float32) * (1.0 / np.sqrt(3 * L))
    W_upd = jax.random.normal(ks[7], (2 * L, L), dtype=jnp.float32) * (1.0 / np.sqrt(2 * L))
    W_dec = jax.random.normal(ks[8], (2 * L, NF), dtype=jnp.float32) * (1.0 / np.sqrt(2 * L))
    W_term = jax.random.normal(ks[9], (L, 1), dtype=jnp.float32) * (1.0 / np.sqrt(L))
    return {
        "node_features": node_features,
        "edge_features": edge_features,
        "edge_index": edge_index,
        "last_latent": last_latent,
        "W_node": W_node,
        "W_edge": W_edge,
        "W_msg": W_msg,
        "W_upd": W_upd,
        "W_dec": W_dec,
        "W_term": W_term,
    }


def reference(node_features, edge_features, edge_index, last_latent,
              W_node, W_edge, W_msg, W_upd, W_dec, W_term):
    # node_encoder: Linear(NF + L -> L, bias=False) + LeakyReLU (torch default slope 0.01)
    node_enc = jax.nn.leaky_relu(
        jnp.concatenate([node_features, last_latent], axis=1) @ W_node, negative_slope=0.01)
    # edge_encoder: Linear(EF -> L, bias=False) + LeakyReLU
    edge_enc = jax.nn.leaky_relu(edge_features @ W_edge, negative_slope=0.01)
    # processor: MPNN step -- per-edge message MLP + scatter-add aggregation + node update
    src = edge_index[0]
    dst = edge_index[1]
    msg = jax.nn.relu(
        jnp.concatenate([jnp.take(node_enc, src, axis=0),
                         jnp.take(node_enc, dst, axis=0),
                         edge_enc], axis=1) @ W_msg)
    agg = jax.ops.segment_sum(msg, dst, num_segments=N)
    latent_features = jax.nn.relu(jnp.concatenate([node_enc, agg], axis=1) @ W_upd)
    # decoder: Linear(2L -> NF, bias=False)
    output = jnp.concatenate([node_enc, latent_features], axis=1) @ W_dec
    # termination: Linear(L -> 1, bias=False) on mean-pooled latent
    term = latent_features.mean(axis=0) @ W_term
    return (output, latent_features, term)

if __name__ == "__main__":
    import jax
    _d = setup_inputs()
    print(jax.jit(kernel)(*tuple(_d.values())))

</pallas_src>

<mosaic_0001>
#map = affine_map<(d0, d1) -> (0, 0)>
#map1 = affine_map<(d0, d1) -> (0)>
module attributes {stable_mosaic.version = 14 : i64} {
  func.func @edge_kernel(%arg0: i32, %arg1: i32, %arg2: memref<100000x32xf32, #tpu.memory_space<hbm>>, %arg3: memref<100000x32xf32, #tpu.memory_space<hbm>>, %arg4: memref<12512x128xi32, #tpu.memory_space<hbm>>, %arg5: memref<12512x128xi32, #tpu.memory_space<hbm>>, %arg6: memref<1601536xf32, #tpu.memory_space<hbm>>, %arg7: memref<4x16xf32, #tpu.memory_space<hbm>>, %arg8: memref<3133x32xf32, #tpu.memory_space<hbm>>, %arg9: memref<100000x32xf32, #tpu.memory_space<hbm>>, %arg10: memref<50128x32xf32, #tpu.memory_space<vmem_shared>>, %arg11: memref<2x128xi32, #tpu.memory_space<vmem>>, %arg12: memref<2x128xi32, #tpu.memory_space<vmem>>, %arg13: memref<256xf32, #tpu.memory_space<vmem>>, %arg14: memref<256x32xf32, #tpu.memory_space<vmem>>, %arg15: memref<256x32xf32, #tpu.memory_space<vmem>>, %arg16: memref<2x128xi32, #tpu.memory_space<vmem>>, %arg17: memref<4x16xf32, #tpu.memory_space<vmem>>, %arg18: memref<!tpu.dma_semaphore, #tpu.memory_space<semaphore_mem>>) attributes {dimension_semantics = [#tpu.dimension_semantics<core_parallel>, #tpu.dimension_semantics<subcore_parallel>], iteration_bounds = array<i64: 2, 16>, scalar_prefetch = 0 : i64, scratch_operands = 9 : i64, tpu.core_type = #tpu.core_type<sc_vector_subcore>, window_params = [{transform_indices = #map}, {transform_indices = #map}, {transform_indices = #map}, {transform_indices = #map}, {transform_indices = #map1}, {transform_indices = #map}, {transform_indices = #map}, {transform_indices = #map}]} {
    %mul3A = arith.constant 50000 : i32
    %mul3A_0 = arith.muli %arg0, %mul3A : i32
    %mul3A_1 = arith.constant 3133 : i32
    %mul3A_2 = arith.muli %arg1, %mul3A_1 : i32
    "tpu.region"() ({
      %run_scoped3A = tpu.sem_alloc : memref<!tpu.dma_semaphore, #tpu.memory_space<semaphore_mem>>
      %dma_start3A = arith.constant 0 : i32
      %dma_start3A_32 = tpu.memref_slice %arg10[%mul3A_2, %dma_start3A] : memref<50128x32xf32, #tpu.memory_space<vmem_shared>> -> memref<3133x32xf32, #tpu.memory_space<vmem_shared>>
      tpu.enqueue_dma source(%arg8 : memref<3133x32xf32, #tpu.memory_space<hbm>>) target(%dma_start3A_32 : memref<3133x32xf32, #tpu.memory_space<vmem_shared>>) target_semaphore(%run_scoped3A : memref<!tpu.dma_semaphore, #tpu.memory_space<semaphore_mem>>)
      %dma_wait3A = arith.constant 0 : i32
      %dma_wait3A_33 = tpu.memref_slice %arg10[%mul3A_2, %dma_wait3A] : memref<50128x32xf32, #tpu.memory_space<vmem_shared>> -> memref<3133x32xf32, #tpu.memory_space<vmem_shared>>
      tpu.wait_dma2 semaphore(%run_scoped3A : memref<!tpu.dma_semaphore, #tpu.memory_space<semaphore_mem>>) src(%arg8 : memref<3133x32xf32, #tpu.memory_space<hbm>>) dst(%dma_wait3A_33 : memref<3133x32xf32, #tpu.memory_space<vmem_shared>>)
      tpu.yield
    }) : () -> ()
    "tpu.region"() ({
      %run_scoped3A = tpu.sem_alloc : memref<!tpu.dma_semaphore, #tpu.memory_space<semaphore_mem>>
      tpu.enqueue_dma source(%arg7 : memref<4x16xf32, #tpu.memory_space<hbm>>) target(%arg17 : memref<4x16xf32, #tpu.memory_space<vmem>>) target_semaphore(%run_scoped3A : memref<!tpu.dma_semaphore, #tpu.memory_space<semaphore_mem>>)
      tpu.wait_dma2 semaphore(%run_scoped3A : memref<!tpu.dma_semaphore, #tpu.memory_space<semaphore_mem>>) src(%arg7 : memref<4x16xf32, #tpu.memory_space<hbm>>) dst(%arg17 : memref<4x16xf32, #tpu.memory_space<vmem>>)
      tpu.yield
    }) : () -> ()
    %barrier3A = arith.constant 0 : index
    tpu.barrier barrier_id(%barrier3A)
    %get3A = arith.constant 0 : i32
    %get3A_3 = arith.index_cast %get3A : i32 to index
    %get3A_4 = arith.constant 0 : index
    %get3A_5 = tpu.vector_load %arg17[%get3A_3, %get3A_4] {strides = array<i32>} : memref<4x16xf32, #tpu.memory_space<vmem>>, vector<16xf32>,
    %get3A_6 = arith.constant 1 : i32
    %get3A_7 = arith.index_cast %get3A_6 : i32 to index
    %get3A_8 = arith.constant 0 : index
    %get3A_9 = tpu.vector_load %arg17[%get3A_7, %get3A_8] {strides = array<i32>} : memref<4x16xf32, #tpu.memory_space<vmem>>, vector<16xf32>,
    %get3A_10 = arith.constant 2 : i32
    %get3A_11 = arith.index_cast %get3A_10 : i32 to index
    %get3A_12 = arith.constant 0 : index
    %get3A_13 = tpu.vector_load %arg17[%get3A_11, %get3A_12] {strides = array<i32>} : memref<4x16xf32, #tpu.memory_space<vmem>>, vector<16xf32>,
    %get3A_14 = arith.constant 3 : i32
    %get3A_15 = arith.index_cast %get3A_14 : i32 to index
    %get3A_16 = arith.constant 0 : index
    %get3A_17 = tpu.vector_load %arg17[%get3A_15, %get3A_16] {strides = array<i32>} : memref<4x16xf32, #tpu.memory_space<vmem>>, vector<16xf32>,
    %mul3A_18 = arith.constant 782 : i32
    %mul3A_19 = arith.muli %arg1, %mul3A_18 : i32
    %scan3A = arith.constant 0 : i32
    %scan3A_20 = arith.constant 0 : i32
    %scan3A_21 = arith.constant 391 : i32
    %scan3A_22 = arith.addi %scan3A_20, %scan3A_21 : i32
    %scan3A_23 = arith.constant 1 : i32
    scf.for %scan3A_32 = %scan3A_20 to %scan3A_22 step %scan3A_23  : i32 {
      %mul3A_33 = arith.constant 2 : i32
      %mul3A_34 = arith.muli %scan3A_32, %mul3A_33 : i32
      %add3A = arith.addi %mul3A_19, %mul3A_34 : i32
      "tpu.region"() ({
        %run_scoped3A_435 = tpu.sem_alloc : memref<!tpu.dma_semaphore, #tpu.memory_space<semaphore_mem>>
        %dma_start3A_436 = arith.constant 0 : i32
        %dma_start3A_437 = tpu.memref_slice %arg4[%add3A, %dma_start3A_436] : memref<12512x128xi32, #tpu.memory_space<hbm>> -> memref<2x128xi32, #tpu.memory_space<hbm>>
        %dma_start3A_438 = arith.constant 0 : i32
        %dma_start3A_439 = tpu.memref_slice %arg4[%add3A, %dma_start3A_438] : memref<12512x128xi32, #tpu.memory_space<hbm>> -> memref<2x128xi32, #tpu.memory_space<hbm>>
        tpu.enqueue_dma source(%dma_start3A_439 : memref<2x128xi32, #tpu.memory_space<hbm>>) target(%arg11 : memref<2x128xi32, #tpu.memory_space<vmem>>) target_semaphore(%run_scoped3A_435 : memref<!tpu.dma_semaphore, #tpu.memory_space<semaphore_mem>>)
        %dma_wait3A_440 = arith.constant 0 : i32
        %dma_wait3A_441 = tpu.memref_slice %arg4[%add3A, %dma_wait3A_440] : memref<12512x128xi32, #tpu.memory_space<hbm>> -> memref<2x128xi32, #tpu.memory_space<hbm>>
        %dma_wait3A_442 = arith.constant 0 : i32
        %dma_wait3A_443 = tpu.memref_slice %arg4[%add3A, %dma_wait3A_442] : memref<12512x128xi32, #tpu.memory_space<hbm>> -> memref<2x128xi32, #tpu.memory_space<hbm>>
        tpu.wait_dma2 semaphore(%run_scoped3A_435 : memref<!tpu.dma_semaphore, #tpu.memory_space<semaphore_mem>>) src(%dma_wait3A_443 : memref<2x128xi32, #tpu.memory_space<hbm>>) dst(%arg11 : memref<2x128xi32, #tpu.memory_space<vmem>>)
        tpu.yield
      }) : () -> ()
      "tpu.region"() ({
        %run_scoped3A_435 = tpu.sem_alloc : memref<!tpu.dma_semaphore, #tpu.memory_space<semaphore_mem>>
        %dma_start3A_436 = arith.constant 0 : i32
        %dma_start3A_437 = tpu.memref_slice %arg5[%add3A, %dma_start3A_436] : memref<12512x128xi32, #tpu.memory_space<hbm>> -> memref<2x128xi32, #tpu.memory_space<hbm>>
        %dma_start3A_438 = arith.constant 0 : i32
        %dma_start3A_439 = tpu.memref_slice %arg5[%add3A, %dma_start3A_438] : memref<12512x128xi32, #tpu.memory_space<hbm>> -> memref<2x128xi32, #tpu.memory_space<hbm>>
        tpu.enqueue_dma source(%dma_start3A_439 : memref<2x128xi32, #tpu.memory_space<hbm>>) target(%arg12 : memref<2x128xi32, #tpu.memory_space<vmem>>) target_semaphore(%run_scoped3A_435 : memref<!tpu.dma_semaphore, #tpu.memory_space<semaphore_mem>>)
        %dma_wait3A_440 = arith.constant 0 : i32
        %dma_wait3A_441 = tpu.memref_slice %arg5[%add3A, %dma_wait3A_440] : memref<12512x128xi32, #tpu.memory_space<hbm>> -> memref<2x128xi32, #tpu.memory_space<hbm>>
        %dma_wait3A_442 = arith.constant 0 : i32
        %dma_wait3A_443 = tpu.memref_slice %arg5[%add3A, %dma_wait3A_442] : memref<12512x128xi32, #tpu.memory_space<hbm>> -> memref<2x128xi32, #tpu.memory_space<hbm>>
        tpu.wait_dma2 semaphore(%run_scoped3A_435 : memref<!tpu.dma_semaphore, #tpu.memory_space<semaphore_mem>>) src(%dma_wait3A_443 : memref<2x128xi32, #tpu.memory_space<hbm>>) dst(%arg12 : memref<2x128xi32, #tpu.memory_space<vmem>>)
        tpu.yield
      }) : () -> ()
      %mul3A_35 = arith.constant 128 : i32
      %mul3A_36 = arith.muli %add3A, %mul3A_35 : i32
      "tpu.region"() ({
        %run_scoped3A_435 = tpu.sem_alloc : memref<!tpu.dma_semaphore, #tpu.memory_space<semaphore_mem>>
        %dma_start3A_436 = tpu.memref_slice %arg6[%mul3A_36] : memref<1601536xf32, #tpu.memory_space<hbm>> -> memref<256xf32, #tpu.memory_space<hbm>>
        %dma_start3A_437 = tpu.memref_slice %arg6[%mul3A_36] : memref<1601536xf32, #tpu.memory_space<hbm>> -> memref<256xf32, #tpu.memory_space<hbm>>
        tpu.enqueue_dma source(%dma_start3A_437 : memref<256xf32, #tpu.memory_space<hbm>>) target(%arg13 : memref<256xf32, #tpu.memory_space<vmem>>) target_semaphore(%run_scoped3A_435 : memref<!tpu.dma_semaphore, #tpu.memory_space<semaphore_mem>>)
        %dma_wait3A_438 = tpu.memref_slice %arg6[%mul3A_36] : memref<1601536xf32, #tpu.memory_space<hbm>> -> memref<256xf32, #tpu.memory_space<hbm>>
        %dma_wait3A_439 = tpu.memref_slice %arg6[%mul3A_36] : memref<1601536xf32, #tpu.memory_space<hbm>> -> memref<256xf32, #tpu.memory_space<hbm>>
        tpu.wait_dma2 semaphore(%run_scoped3A_435 : memref<!tpu.dma_semaphore, #tpu.memory_space<semaphore_mem>>) src(%dma_wait3A_439 : memref<256xf32, #tpu.memory_space<hbm>>) dst(%arg13 : memref<256xf32, #tpu.memory_space<vmem>>)
        tpu.yield
      }) : () -> ()
      %dma_start3A = arith.constant 0 : i32
      %dma_start3A_37 = arith.constant 0 : i32
      %dma_start3A_38 = arith.constant 0 : i32
      %dma_start3A_39 = tpu.memref_slice %arg14[%dma_start3A_37, %dma_start3A_38] : memref<256x32xf32, #tpu.memory_space<vmem>> -> memref<128x32xf32, #tpu.memory_space<vmem>>
      %dma_start3A_40 = arith.constant 0 : i32
      %dma_start3A_41 = tpu.memref_slice %arg11[%dma_start3A, %dma_start3A_40] : memref<2x128xi32, #tpu.memory_space<vmem>> -> memref<1x128xi32, #tpu.memory_space<vmem>>
      %dma_start3A_42 = tpu.memref_squeeze %dma_start3A_41 : memref<1x128xi32, #tpu.memory_space<vmem>> -> memref<128xi32, #tpu.memory_space<vmem>>
      %dma_start3A_43 = arith.constant 0 : i32
      %dma_start3A_44 = arith.constant 0 : i32
      %dma_start3A_45 = tpu.memref_slice %arg2[%dma_start3A_43, %dma_start3A_44] : memref<100000x32xf32, #tpu.memory_space<hbm>> -> memref<100000x32xf32, #tpu.memory_space<hbm>>
      tpu.enqueue_indirect_dma source(%dma_start3A_45 : memref<100000x32xf32, #tpu.memory_space<hbm>>) target(%dma_start3A_39 : memref<128x32xf32, #tpu.memory_space<vmem>>) offsets(%dma_start3A_42 : memref<128xi32, #tpu.memory_space<vmem>>) semaphore(%arg18 : memref<!tpu.dma_semaphore, #tpu.memory_space<semaphore_mem>>)
      %dma_start3A_46 = arith.constant 0 : i32
      %dma_start3A_47 = arith.constant 0 : i32
      %dma_start3A_48 = arith.constant 0 : i32
      %dma_start3A_49 = tpu.memref_slice %arg15[%dma_start3A_47, %dma_start3A_48] : memref<256x32xf32, #tpu.memory_space<vmem>> -> memref<128x32xf32, #tpu.memory_space<vmem>>
      %dma_start3A_50 = arith.constant 0 : i32
      %dma_start3A_51 = tpu.memref_slice %arg12[%dma_start3A_46, %dma_start3A_50] : memref<2x128xi32, #tpu.memory_space<vmem>> -> memref<1x128xi32, #tpu.memory_space<vmem>>
      %dma_start3A_52 = tpu.memref_squeeze %dma_start3A_51 : memref<1x128xi32, #tpu.memory_space<vmem>> -> memref<128xi32, #tpu.memory_space<vmem>>
      %dma_start3A_53 = arith.constant 0 : i32
      %dma_start3A_54 = arith.constant 0 : i32
      %dma_start3A_55 = tpu.memref_slice %arg3[%dma_start3A_53, %dma_start3A_54] : memref<100000x32xf32, #tpu.memory_space<hbm>> -> memref<100000x32xf32, #tpu.memory_space<hbm>>
      tpu.enqueue_indirect_dma source(%dma_start3A_55 : memref<100000x32xf32, #tpu.memory_space<hbm>>) target(%dma_start3A_49 : memref<128x32xf32, #tpu.memory_space<vmem>>) offsets(%dma_start3A_52 : memref<128xi32, #tpu.memory_space<vmem>>) semaphore(%arg18 : memref<!tpu.dma_semaphore, #tpu.memory_space<semaphore_mem>>)
      %dma_start3A_56 = arith.constant 1 : i32
      %dma_start3A_57 = arith.constant 128 : i32
      %dma_start3A_58 = arith.constant 0 : i32
      %dma_start3A_59 = tpu.memref_slice %arg14[%dma_start3A_57, %dma_start3A_58] : memref<256x32xf32, #tpu.memory_space<vmem>> -> memref<128x32xf32, #tpu.memory_space<vmem>>
      %dma_start3A_60 = arith.constant 0 : i32
      %dma_start3A_61 = tpu.memref_slice %arg11[%dma_start3A_56, %dma_start3A_60] : memref<2x128xi32, #tpu.memory_space<vmem>> -> memref<1x128xi32, #tpu.memory_space<vmem>>
      %dma_start3A_62 = tpu.memref_squeeze %dma_start3A_61 : memref<1x128xi32, #tpu.memory_space<vmem>> -> memref<128xi32, #tpu.memory_space<vmem>>
      %dma_start3A_63 = arith.constant 0 : i32
      %dma_start3A_64 = arith.constant 0 : i32
      %dma_start3A_65 = tpu.memref_slice %arg2[%dma_start3A_63, %dma_start3A_64] : memref<100000x32xf32, #tpu.memory_space<hbm>> -> memref<100000x32xf32, #tpu.memory_space<hbm>>
      tpu.enqueue_indirect_dma source(%dma_start3A_65 : memref<100000x32xf32, #tpu.memory_space<hbm>>) target(%dma_start3A_59 : memref<128x32xf32, #tpu.memory_space<vmem>>) offsets(%dma_start3A_62 : memref<128xi32, #tpu.memory_space<vmem>>) semaphore(%arg18 : memref<!tpu.dma_semaphore, #tpu.memory_space<semaphore_mem>>)
      %dma_start3A_66 = arith.constant 1 : i32
      %dma_start3A_67 = arith.constant 128 : i32
      %dma_start3A_68 = arith.constant 0 : i32
      %dma_start3A_69 = tpu.memref_slice %arg15[%dma_start3A_67, %dma_start3A_68] : memref<256x32xf32, #tpu.memory_space<vmem>> -> memref<128x32xf32, #tpu.memory_space<vmem>>
      %dma_start3A_70 = arith.constant 0 : i32
      %dma_start3A_71 = tpu.memref_slice %arg12[%dma_start3A_66, %dma_start3A_70] : memref<2x128xi32, #tpu.memory_space<vmem>> -> memref<1x128xi32, #tpu.memory_space<vmem>>
      %dma_start3A_72 = tpu.memref_squeeze %dma_start3A_71 : memref<1x128xi32, #tpu.memory_space<vmem>> -> memref<128xi32, #tpu.memory_space<vmem>>
      %dma_start3A_73 = arith.constant 0 : i32
      %dma_start3A_74 = arith.constant 0 : i32
      %dma_start3A_75 = tpu.memref_slice %arg3[%dma_start3A_73, %dma_start3A_74] : memref<100000x32xf32, #tpu.memory_space<hbm>> -> memref<100000x32xf32, #tpu.memory_space<hbm>>
      tpu.enqueue_indirect_dma source(%dma_start3A_75 : memref<100000x32xf32, #tpu.memory_space<hbm>>) target(%dma_start3A_69 : memref<128x32xf32, #tpu.memory_space<vmem>>) offsets(%dma_start3A_72 : memref<128xi32, #tpu.memory_space<vmem>>) semaphore(%arg18 : memref<!tpu.dma_semaphore, #tpu.memory_space<semaphore_mem>>)
      %get3A_76 = arith.constant 0 : i32
      %get3A_77 = arith.index_cast %get3A_76 : i32 to index
      %get3A_78 = arith.constant 0 : index
      %get3A_79 = tpu.vector_load %arg12[%get3A_77, %get3A_78] {strides = array<i32>} : memref<2x128xi32, #tpu.memory_space<vmem>>, vector<16xi32>,
      %sub3A = vector.broadcast %mul3A_0 : i32 to vector<16xi32>
      %sub3A_80 = arith.subi %get3A_79, %sub3A : vector<16xi32>
      %lt3A_81 = arith.constant 0 : i32
      %lt3A_82 = vector.broadcast %lt3A_81 : i32 to vector<16xi32>
      %lt3A_83 = arith.cmpi slt, %sub3A_80, %lt3A_82 : vector<16xi32>
      %ge3A = arith.constant 50000 : i32
      %ge3A_84 = vector.broadcast %ge3A : i32 to vector<16xi32>
      %ge3A_85 = arith.cmpi sge, %sub3A_80, %ge3A_84 : vector<16xi32>
      %or3A = arith.ori %lt3A_83, %ge3A_85 : vector<16xi1>
      %jit3A = arith.constant 50000 : i32
      %broadcast_in_dim3A = vector.broadcast %jit3A : i32 to vector<16xi32>
      %select_n3A = arith.select %or3A, %broadcast_in_dim3A, %sub3A_80 : vector<16xi1>, vector<16xi32>
      %swap3A = arith.constant 0 : i32
      %swap3A_86 = arith.index_cast %swap3A : i32 to index
      %swap3A_87 = arith.constant 0 : index
      %swap3A_88 = tpu.vector_load %arg16[%swap3A_86, %swap3A_87] {strides = array<i32>} : memref<2x128xi32, #tpu.memory_space<vmem>>, vector<16xi32>,
      tpu.vector_store %arg16[%swap3A_86, %swap3A_87], %select_n3A {strides = array<i32>} : memref<2x128xi32, #tpu.memory_space<vmem>>, vector<16xi32>,
      %get3A_89 = arith.constant 0 : i32
      %get3A_90 = arith.index_cast %get3A_89 : i32 to index
      %get3A_91 = arith.constant 16 : index
      %get3A_92 = tpu.vector_load %arg12[%get3A_90, %get3A_91] {strides = array<i32>} : memref<2x128xi32, #tpu.memory_space<vmem>>, vector<16xi32>,
      %sub3A_93 = vector.broadcast %mul3A_0 : i32 to vector<16xi32>
      %sub3A_94 = arith.subi %get3A_92, %sub3A_93 : vector<16xi32>
      %lt3A_95 = arith.constant 0 : i32
      %lt3A_96 = vector.broadcast %lt3A_95 : i32 to vector<16xi32>
      %lt3A_97 = arith.cmpi slt, %sub3A_94, %lt3A_96 : vector<16xi32>
      %ge3A_98 = arith.constant 50000 : i32
      %ge3A_99 = vector.broadcast %ge3A_98 : i32 to vector<16xi32>
      %ge3A_100 = arith.cmpi sge, %sub3A_94, %ge3A_99 : vector<16xi32>
      %or3A_101 = arith.ori %lt3A_97, %ge3A_100 : vector<16xi1>
      %jit3A_102 = arith.constant 50000 : i32
      %broadcast_in_dim3A_103 = vector.broadcast %jit3A_102 : i32 to vector<16xi32>
      %select_n3A_104 = arith.select %or3A_101, %broadcast_in_dim3A_103, %sub3A_94 : vector<16xi1>, vector<16xi32>
      %swap3A_105 = arith.constant 0 : i32
      %swap3A_106 = arith.index_cast %swap3A_105 : i32 to index
      %swap3A_107 = arith.constant 16 : index
      %swap3A_108 = tpu.vector_load %arg16[%swap3A_106, %swap3A_107] {strides = array<i32>} : memref<2x128xi32, #tpu.memory_space<vmem>>, vector<16xi32>,
      tpu.vector_store %arg16[%swap3A_106, %swap3A_107], %select_n3A_104 {strides = array<i32>} : memref<2x128xi32, #tpu.memory_space<vmem>>, vector<16xi32>,
      %get3A_109 = arith.constant 0 : i32
      %get3A_110 = arith.index_cast %get3A_109 : i32 to index
      %get3A_111 = arith.constant 32 : index
      %get3A_112 = tpu.vector_load %arg12[%get3A_110, %get3A_111] {strides = array<i32>} : memref<2x128xi32, #tpu.memory_space<vmem>>, vector<16xi32>,
      %sub3A_113 = vector.broadcast %mul3A_0 : i32 to vector<16xi32>
      %sub3A_114 = arith.subi %get3A_112, %sub3A_113 : vector<16xi32>
      %lt3A_115 = arith.constant 0 : i32
      %lt3A_116 = vector.broadcast %lt3A_115 : i32 to vector<16xi32>
      %lt3A_117 = arith.cmpi slt, %sub3A_114, %lt3A_116 : vector<16xi32>
      %ge3A_118 = arith.constant 50000 : i32
      %ge3A_119 = vector.broadcast %ge3A_118 : i32 to vector<16xi32>
      %ge3A_120 = arith.cmpi sge, %sub3A_114, %ge3A_119 : vector<16xi32>
      %or3A_121 = arith.ori %lt3A_117, %ge3A_120 : vector<16xi1>
      %jit3A_122 = arith.constant 50000 : i32
      %broadcast_in_dim3A_123 = vector.broadcast %jit3A_122 : i32 to vector<16xi32>
      %select_n3A_124 = arith.select %or3A_121, %broadcast_in_dim3A_123, %sub3A_114 : vector<16xi1>, vector<16xi32>
      %swap3A_125 = arith.constant 0 : i32
      %swap3A_126 = arith.index_cast %swap3A_125 : i32 to index
      %swap3A_127 = arith.constant 32 : index
      %swap3A_128 = tpu.vector_load %arg16[%swap3A_126, %swap3A_127] {strides = array<i32>} : memref<2x128xi32, #tpu.memory_space<vmem>>, vector<16xi32>,
      tpu.vector_store %arg16[%swap3A_126, %swap3A_127], %select_n3A_124 {strides = array<i32>} : memref<2x128xi32, #tpu.memory_space<vmem>>, vector<16xi32>,
      %get3A_129 = arith.constant 0 : i32
      %get3A_130 = arith.index_cast %get3A_129 : i32 to index
      %get3A_131 = arith.constant 48 : index
      %get3A_132 = tpu.vector_load %arg12[%get3A_130, %get3A_131] {strides = array<i32>} : memref<2x128xi32, #tpu.memory_space<vmem>>, vector<16xi32>,
      %sub3A_133 = vector.broadcast %mul3A_0 : i32 to vector<16xi32>
      %sub3A_134 = arith.subi %get3A_132, %sub3A_133 : vector<16xi32>
      %lt3A_135 = arith.constant 0 : i32
      %lt3A_136 = vector.broadcast %lt3A_135 : i32 to vector<16xi32>
      %lt3A_137 = arith.cmpi slt, %sub3A_134, %lt3A_136 : vector<16xi32>
      %ge3A_138 = arith.constant 50000 : i32
      %ge3A_139 = vector.broadcast %ge3A_138 : i32 to vector<16xi32>
      %ge3A_140 = arith.cmpi sge, %sub3A_134, %ge3A_139 : vector<16xi32>
      %or3A_141 = arith.ori %lt3A_137, %ge3A_140 : vector<16xi1>
      %jit3A_142 = arith.constant 50000 : i32
      %broadcast_in_dim3A_143 = vector.broadcast %jit3A_142 : i32 to vector<16xi32>
      %select_n3A_144 = arith.select %or3A_141, %broadcast_in_dim3A_143, %sub3A_134 : vector<16xi1>, vector<16xi32>
      %swap3A_145 = arith.constant 0 : i32
      %swap3A_146 = arith.index_cast %swap3A_145 : i32 to index
      %swap3A_147 = arith.constant 48 : index
      %swap3A_148 = tpu.vector_load %arg16[%swap3A_146, %swap3A_147] {strides = array<i32>} : memref<2x128xi32, #tpu.memory_space<vmem>>, vector<16xi32>,
      tpu.vector_store %arg16[%swap3A_146, %swap3A_147], %select_n3A_144 {strides = array<i32>} : memref<2x128xi32, #tpu.memory_space<vmem>>, vector<16xi32>,
      %get3A_149 = arith.constant 0 : i32
      %get3A_150 = arith.index_cast %get3A_149 : i32 to index
      %get3A_151 = arith.constant 64 : index
      %get3A_152 = tpu.vector_load %arg12[%get3A_150, %get3A_151] {strides = array<i32>} : memref<2x128xi32, #tpu.memory_space<vmem>>, vector<16xi32>,
      %sub3A_153 = vector.broadcast %mul3A_0 : i32 to vector<16xi32>
      %sub3A_154 = arith.subi %get3A_152, %sub3A_153 : vector<16xi32>
      %lt3A_155 = arith.constant 0 : i32
      %lt3A_156 = vector.broadcast %lt3A_155 : i32 to vector<16xi32>
      %lt3A_157 = arith.cmpi slt, %sub3A_154, %lt3A_156 : vector<16xi32>
      %ge3A_158 = arith.constant 50000 : i32
      %ge3A_159 = vector.broadcast %ge3A_158 : i32 to vector<16xi32>
      %ge3A_160 = arith.cmpi sge, %sub3A_154, %ge3A_159 : vector<16xi32>
      %or3A_161 = arith.ori %lt3A_157, %ge3A_160 : vector<16xi1>
      %jit3A_162 = arith.constant 50000 : i32
      %broadcast_in_dim3A_163 = vector.broadcast %jit3A_162 : i32 to vector<16xi32>
      %select_n3A_164 = arith.select %or3A_161, %broadcast_in_dim3A_163, %sub3A_154 : vector<16xi1>, vector<16xi32>
      %swap3A_165 = arith.constant 0 : i32
      %swap3A_166 = arith.index_cast %swap3A_165 : i32 to index
      %swap3A_167 = arith.constant 64 : index
      %swap3A_168 = tpu.vector_load %arg16[%swap3A_166, %swap3A_167] {strides = array<i32>} : memref<2x128xi32, #tpu.memory_space<vmem>>, vector<16xi32>,
      tpu.vector_store %arg16[%swap3A_166, %swap3A_167], %select_n3A_164 {strides = array<i32>} : memref<2x128xi32, #tpu.memory_space<vmem>>, vector<16xi32>,
      %get3A_169 = arith.constant 0 : i32
      %get3A_170 = arith.index_cast %get3A_169 : i32 to index
      %get3A_171 = arith.constant 80 : index
      %get3A_172 = tpu.vector_load %arg12[%get3A_170, %get3A_171] {strides = array<i32>} : memref<2x128xi32, #tpu.memory_space<vmem>>, vector<16xi32>,
      %sub3A_173 = vector.broadcast %mul3A_0 : i32 to vector<16xi32>
      %sub3A_174 = arith.subi %get3A_172, %sub3A_173 : vector<16xi32>
      %lt3A_175 = arith.constant 0 : i32
      %lt3A_176 = vector.broadcast %lt3A_175 : i32 to vector<16xi32>
      %lt3A_177 = arith.cmpi slt, %sub3A_174, %lt3A_176 : vector<16xi32>
      %ge3A_178 = arith.constant 50000 : i32
      %ge3A_179 = vector.broadcast %ge3A_178 : i32 to vector<16xi32>
      %ge3A_180 = arith.cmpi sge, %sub3A_174, %ge3A_179 : vector<16xi32>
      %or3A_181 = arith.ori %lt3A_177, %ge3A_180 : vector<16xi1>
      %jit3A_182 = arith.constant 50000 : i32
      %broadcast_in_dim3A_183 = vector.broadcast %jit3A_182 : i32 to vector<16xi32>
      %select_n3A_184 = arith.select %or3A_181, %broadcast_in_dim3A_183, %sub3A_174 : vector<16xi1>, vector<16xi32>
      %swap3A_185 = arith.constant 0 : i32
      %swap3A_186 = arith.index_cast %swap3A_185 : i32 to index
      %swap3A_187 = arith.constant 80 : index
      %swap3A_188 = tpu.vector_load %arg16[%swap3A_186, %swap3A_187] {strides = array<i32>} : memref<2x128xi32, #tpu.memory_space<vmem>>, vector<16xi32>,
      tpu.vector_store %arg16[%swap3A_186, %swap3A_187], %select_n3A_184 {strides = array<i32>} : memref<2x128xi32, #tpu.memory_space<vmem>>, vector<16xi32>,
      %get3A_189 = arith.constant 0 : i32
      %get3A_190 = arith.index_cast %get3A_189 : i32 to index
      %get3A_191 = arith.constant 96 : index
      %get3A_192 = tpu.vector_load %arg12[%get3A_190, %get3A_191] {strides = array<i32>} : memref<2x128xi32, #tpu.memory_space<vmem>>, vector<16xi32>,
      %sub3A_193 = vector.broadcast %mul3A_0 : i32 to vector<16xi32>
      %sub3A_194 = arith.subi %get3A_192, %sub3A_193 : vector<16xi32>
      %lt3A_195 = arith.constant 0 : i32
      %lt3A_196 = vector.broadcast %lt3A_195 : i32 to vector<16xi32>
      %lt3A_197 = arith.cmpi slt, %sub3A_194, %lt3A_196 : vector<16xi32>
      %ge3A_198 = arith.constant 50000 : i32
      %ge3A_199 = vector.broadcast %ge3A_198 : i32 to vector<16xi32>
      %ge3A_200 = arith.cmpi sge, %sub3A_194, %ge3A_199 : vector<16xi32>
      %or3A_201 = arith.ori %lt3A_197, %ge3A_200 : vector<16xi1>
      %jit3A_202 = arith.constant 50000 : i32
      %broadcast_in_dim3A_203 = vector.broadcast %jit3A_202 : i32 to vector<16xi32>
      %select_n3A_204 = arith.select %or3A_201, %broadcast_in_dim3A_203, %sub3A_194 : vector<16xi1>, vector<16xi32>
      %swap3A_205 = arith.constant 0 : i32
      %swap3A_206 = arith.index_cast %swap3A_205 : i32 to index
      %swap3A_207 = arith.constant 96 : index
      %swap3A_208 = tpu.vector_load %arg16[%swap3A_206, %swap3A_207] {strides = array<i32>} : memref<2x128xi32, #tpu.memory_space<vmem>>, vector<16xi32>,
      tpu.vector_store %arg16[%swap3A_206, %swap3A_207], %select_n3A_204 {strides = array<i32>} : memref<2x128xi32, #tpu.memory_space<vmem>>, vector<16xi32>,
      %get3A_209 = arith.constant 0 : i32
      %get3A_210 = arith.index_cast %get3A_209 : i32 to index
      %get3A_211 = arith.constant 112 : index
      %get3A_212 = tpu.vector_load %arg12[%get3A_210, %get3A_211] {strides = array<i32>} : memref<2x128xi32, #tpu.memory_space<vmem>>, vector<16xi32>,
      %sub3A_213 = vector.broadcast %mul3A_0 : i32 to vector<16xi32>
      %sub3A_214 = arith.subi %get3A_212, %sub3A_213 : vector<16xi32>
      %lt3A_215 = arith.constant 0 : i32
      %lt3A_216 = vector.broadcast %lt3A_215 : i32 to vector<16xi32>
      %lt3A_217 = arith.cmpi slt, %sub3A_214, %lt3A_216 : vector<16xi32>
      %ge3A_218 = arith.constant 50000 : i32
      %ge3A_219 = vector.broadcast %ge3A_218 : i32 to vector<16xi32>
      %ge3A_220 = arith.cmpi sge, %sub3A_214, %ge3A_219 : vector<16xi32>
      %or3A_221 = arith.ori %lt3A_217, %ge3A_220 : vector<16xi1>
      %jit3A_222 = arith.constant 50000 : i32
      %broadcast_in_dim3A_223 = vector.broadcast %jit3A_222 : i32 to vector<16xi32>
      %select_n3A_224 = arith.select %or3A_221, %broadcast_in_dim3A_223, %sub3A_214 : vector<16xi1>, vector<16xi32>
      %swap3A_225 = arith.constant 0 : i32
      %swap3A_226 = arith.index_cast %swap3A_225 : i32 to index
      %swap3A_227 = arith.constant 112 : index
      %swap3A_228 = tpu.vector_load %arg16[%swap3A_226, %swap3A_227] {strides = array<i32>} : memref<2x128xi32, #tpu.memory_space<vmem>>, vector<16xi32>,
      tpu.vector_store %arg16[%swap3A_226, %swap3A_227], %select_n3A_224 {strides = array<i32>} : memref<2x128xi32, #tpu.memory_space<vmem>>, vector<16xi32>,
      %get3A_229 = arith.constant 1 : i32
      %get3A_230 = arith.index_cast %get3A_229 : i32 to index
      %get3A_231 = arith.constant 0 : index
      %get3A_232 = tpu.vector_load %arg12[%get3A_230, %get3A_231] {strides = array<i32>} : memref<2x128xi32, #tpu.memory_space<vmem>>, vector<16xi32>,
      %sub3A_233 = vector.broadcast %mul3A_0 : i32 to vector<16xi32>
      %sub3A_234 = arith.subi %get3A_232, %sub3A_233 : vector<16xi32>
      %lt3A_235 = arith.constant 0 : i32
      %lt3A_236 = vector.broadcast %lt3A_235 : i32 to vector<16xi32>
      %lt3A_237 = arith.cmpi slt, %sub3A_234, %lt3A_236 : vector<16xi32>
      %ge3A_238 = arith.constant 50000 : i32
      %ge3A_239 = vector.broadcast %ge3A_238 : i32 to vector<16xi32>
      %ge3A_240 = arith.cmpi sge, %sub3A_234, %ge3A_239 : vector<16xi32>
      %or3A_241 = arith.ori %lt3A_237, %ge3A_240 : vector<16xi1>
      %jit3A_242 = arith.constant 50000 : i32
      %broadcast_in_dim3A_243 = vector.broadcast %jit3A_242 : i32 to vector<16xi32>
      %select_n3A_244 = arith.select %or3A_241, %broadcast_in_dim3A_243, %sub3A_234 : vector<16xi1>, vector<16xi32>
      %swap3A_245 = arith.constant 1 : i32
      %swap3A_246 = arith.index_cast %swap3A_245 : i32 to index
      %swap3A_247 = arith.constant 0 : index
      %swap3A_248 = tpu.vector_load %arg16[%swap3A_246, %swap3A_247] {strides = array<i32>} : memref<2x128xi32, #tpu.memory_space<vmem>>, vector<16xi32>,
      tpu.vector_store %arg16[%swap3A_246, %swap3A_247], %select_n3A_244 {strides = array<i32>} : memref<2x128xi32, #tpu.memory_space<vmem>>, vector<16xi32>,
      %get3A_249 = arith.constant 1 : i32
      %get3A_250 = arith.index_cast %get3A_249 : i32 to index
      %get3A_251 = arith.constant 16 : index
      %get3A_252 = tpu.vector_load %arg12[%get3A_250, %get3A_251] {strides = array<i32>} : memref<2x128xi32, #tpu.memory_space<vmem>>, vector<16xi32>,
      %sub3A_253 = vector.broadcast %mul3A_0 : i32 to vector<16xi32>
      %sub3A_254 = arith.subi %get3A_252, %sub3A_253 : vector<16xi32>
      %lt3A_255 = arith.constant 0 : i32
      %lt3A_256 = vector.broadcast %lt3A_255 : i32 to vector<16xi32>
      %lt3A_257 = arith.cmpi slt, %sub3A_254, %lt3A_256 : vector<16xi32>
      %ge3A_258 = arith.constant 50000 : i32
      %ge3A_259 = vector.broadcast %ge3A_258 : i32 to vector<16xi32>
      %ge3A_260 = arith.cmpi sge, %sub3A_254, %ge3A_259 : vector<16xi32>
      %or3A_261 = arith.ori %lt3A_257, %ge3A_260 : vector<16xi1>
      %jit3A_262 = arith.constant 50000 : i32
      %broadcast_in_dim3A_263 = vector.broadcast %jit3A_262 : i32 to vector<16xi32>
      %select_n3A_264 = arith.select %or3A_261, %broadcast_in_dim3A_263, %sub3A_254 : vector<16xi1>, vector<16xi32>
      %swap3A_265 = arith.constant 1 : i32
      %swap3A_266 = arith.index_cast %swap3A_265 : i32 to index
      %swap3A_267 = arith.constant 16 : index
      %swap3A_268 = tpu.vector_load %arg16[%swap3A_266, %swap3A_267] {strides = array<i32>} : memref<2x128xi32, #tpu.memory_space<vmem>>, vector<16xi32>,
      tpu.vector_store %arg16[%swap3A_266, %swap3A_267], %select_n3A_264 {strides = array<i32>} : memref<2x128xi32, #tpu.memory_space<vmem>>, vector<16xi32>,
      %get3A_269 = arith.constant 1 : i32
      %get3A_270 = arith.index_cast %get3A_269 : i32 to index
      %get3A_271 = arith.constant 32 : index
      %get3A_272 = tpu.vector_load %arg12[%get3A_270, %get3A_271] {strides = array<i32>} : memref<2x128xi32, #tpu.memory_space<vmem>>, vector<16xi32>,
      %sub3A_273 = vector.broadcast %mul3A_0 : i32 to vector<16xi32>
      %sub3A_274 = arith.subi %get3A_272, %sub3A_273 : vector<16xi32>
      %lt3A_275 = arith.constant 0 : i32
      %lt3A_276 = vector.broadcast %lt3A_275 : i32 to vector<16xi32>
      %lt3A_277 = arith.cmpi slt, %sub3A_274, %lt3A_276 : vector<16xi32>
      %ge3A_278 = arith.constant 50000 : i32
      %ge3A_279 = vector.broadcast %ge3A_278 : i32 to vector<16xi32>
      %ge3A_280 = arith.cmpi sge, %sub3A_274, %ge3A_279 : vector<16xi32>
      %or3A_281 = arith.ori %lt3A_277, %ge3A_280 : vector<16xi1>
      %jit3A_282 = arith.constant 50000 : i32
      %broadcast_in_dim3A_283 = vector.broadcast %jit3A_282 : i32 to vector<16xi32>
      %select_n3A_284 = arith.select %or3A_281, %broadcast_in_dim3A_283, %sub3A_274 : vector<16xi1>, vector<16xi32>
      %swap3A_285 = arith.constant 1 : i32
      %swap3A_286 = arith.index_cast %swap3A_285 : i32 to index
      %swap3A_287 = arith.constant 32 : index
      %swap3A_288 = tpu.vector_load %arg16[%swap3A_286, %swap3A_287] {strides = array<i32>} : memref<2x128xi32, #tpu.memory_space<vmem>>, vector<16xi32>,
      tpu.vector_store %arg16[%swap3A_286, %swap3A_287], %select_n3A_284 {strides = array<i32>} : memref<2x128xi32, #tpu.memory_space<vmem>>, vector<16xi32>,
      %get3A_289 = arith.constant 1 : i32
      %get3A_290 = arith.index_cast %get3A_289 : i32 to index
      %get3A_291 = arith.constant 48 : index
      %get3A_292 = tpu.vector_load %arg12[%get3A_290, %get3A_291] {strides = array<i32>} : memref<2x128xi32, #tpu.memory_space<vmem>>, vector<16xi32>,
      %sub3A_293 = vector.broadcast %mul3A_0 : i32 to vector<16xi32>
      %sub3A_294 = arith.subi %get3A_292, %sub3A_293 : vector<16xi32>
      %lt3A_295 = arith.constant 0 : i32
      %lt3A_296 = vector.broadcast %lt3A_295 : i32 to vector<16xi32>
      %lt3A_297 = arith.cmpi slt, %sub3A_294, %lt3A_296 : vector<16xi32>
      %ge3A_298 = arith.constant 50000 : i32
      %ge3A_299 = vector.broadcast %ge3A_298 : i32 to vector<16xi32>
      %ge3A_300 = arith.cmpi sge, %sub3A_294, %ge3A_299 : vector<16xi32>
      %or3A_301 = arith.ori %lt3A_297, %ge3A_300 : vector<16xi1>
      %jit3A_302 = arith.constant 50000 : i32
      %broadcast_in_dim3A_303 = vector.broadcast %jit3A_302 : i32 to vector<16xi32>
      %select_n3A_304 = arith.select %or3A_301, %broadcast_in_dim3A_303, %sub3A_294 : vector<16xi1>, vector<16xi32>
      %swap3A_305 = arith.constant 1 : i32
      %swap3A_306 = arith.index_cast %swap3A_305 : i32 to index
      %swap3A_307 = arith.constant 48 : index
      %swap3A_308 = tpu.vector_load %arg16[%swap3A_306, %swap3A_307] {strides = array<i32>} : memref<2x128xi32, #tpu.memory_space<vmem>>, vector<16xi32>,
      tpu.vector_store %arg16[%swap3A_306, %swap3A_307], %select_n3A_304 {strides = array<i32>} : memref<2x128xi32, #tpu.memory_space<vmem>>, vector<16xi32>,
      %get3A_309 = arith.constant 1 : i32
      %get3A_310 = arith.index_cast %get3A_309 : i32 to index
      %get3A_311 = arith.constant 64 : index
      %get3A_312 = tpu.vector_load %arg12[%get3A_310, %get3A_311] {strides = array<i32>} : memref<2x128xi32, #tpu.memory_space<vmem>>, vector<16xi32>,
      %sub3A_313 = vector.broadcast %mul3A_0 : i32 to vector<16xi32>
      %sub3A_314 = arith.subi %get3A_312, %sub3A_313 : vector<16xi32>
      %lt3A_315 = arith.constant 0 : i32
      %lt3A_316 = vector.broadcast %lt3A_315 : i32 to vector<16xi32>
      %lt3A_317 = arith.cmpi slt, %sub3A_314, %lt3A_316 : vector<16xi32>
      %ge3A_318 = arith.constant 50000 : i32
      %ge3A_319 = vector.broadcast %ge3A_318 : i32 to vector<16xi32>
      %ge3A_320 = arith.cmpi sge, %sub3A_314, %ge3A_319 : vector<16xi32>
      %or3A_321 = arith.ori %lt3A_317, %ge3A_320 : vector<16xi1>
      %jit3A_322 = arith.constant 50000 : i32
      %broadcast_in_dim3A_323 = vector.broadcast %jit3A_322 : i32 to vector<16xi32>
      %select_n3A_324 = arith.select %or3A_321, %broadcast_in_dim3A_323, %sub3A_314 : vector<16xi1>, vector<16xi32>
      %swap3A_325 = arith.constant 1 : i32
      %swap3A_326 = arith.index_cast %swap3A_325 : i32 to index
      %swap3A_327 = arith.constant 64 : index
      %swap3A_328 = tpu.vector_load %arg16[%swap3A_326, %swap3A_327] {strides = array<i32>} : memref<2x128xi32, #tpu.memory_space<vmem>>, vector<16xi32>,
      tpu.vector_store %arg16[%swap3A_326, %swap3A_327], %select_n3A_324 {strides = array<i32>} : memref<2x128xi32, #tpu.memory_space<vmem>>, vector<16xi32>,
      %get3A_329 = arith.constant 1 : i32
      %get3A_330 = arith.index_cast %get3A_329 : i32 to index
      %get3A_331 = arith.constant 80 : index
      %get3A_332 = tpu.vector_load %arg12[%get3A_330, %get3A_331] {strides = array<i32>} : memref<2x128xi32, #tpu.memory_space<vmem>>, vector<16xi32>,
      %sub3A_333 = vector.broadcast %mul3A_0 : i32 to vector<16xi32>
      %sub3A_334 = arith.subi %get3A_332, %sub3A_333 : vector<16xi32>
      %lt3A_335 = arith.constant 0 : i32
      %lt3A_336 = vector.broadcast %lt3A_335 : i32 to vector<16xi32>
      %lt3A_337 = arith.cmpi slt, %sub3A_334, %lt3A_336 : vector<16xi32>
      %ge3A_338 = arith.constant 50000 : i32
      %ge3A_339 = vector.broadcast %ge3A_338 : i32 to vector<16xi32>
      %ge3A_340 = arith.cmpi sge, %sub3A_334, %ge3A_339 : vector<16xi32>
      %or3A_341 = arith.ori %lt3A_337, %ge3A_340 : vector<16xi1>
      %jit3A_342 = arith.constant 50000 : i32
      %broadcast_in_dim3A_343 = vector.broadcast %jit3A_342 : i32 to vector<16xi32>
      %select_n3A_344 = arith.select %or3A_341, %broadcast_in_dim3A_343, %sub3A_334 : vector<16xi1>, vector<16xi32>
      %swap3A_345 = arith.constant 1 : i32
      %swap3A_346 = arith.index_cast %swap3A_345 : i32 to index
      %swap3A_347 = arith.constant 80 : index
      %swap3A_348 = tpu.vector_load %arg16[%swap3A_346, %swap3A_347] {strides = array<i32>} : memref<2x128xi32, #tpu.memory_space<vmem>>, vector<16xi32>,
      tpu.vector_store %arg16[%swap3A_346, %swap3A_347], %select_n3A_344 {strides = array<i32>} : memref<2x128xi32, #tpu.memory_space<vmem>>, vector<16xi32>,
      %get3A_349 = arith.constant 1 : i32
      %get3A_350 = arith.index_cast %get3A_349 : i32 to index
      %get3A_351 = arith.constant 96 : index
      %get3A_352 = tpu.vector_load %arg12[%get3A_350, %get3A_351] {strides = array<i32>} : memref<2x128xi32, #tpu.memory_space<vmem>>, vector<16xi32>,
      %sub3A_353 = vector.broadcast %mul3A_0 : i32 to vector<16xi32>
      %sub3A_354 = arith.subi %get3A_352, %sub3A_353 : vector<16xi32>
      %lt3A_355 = arith.constant 0 : i32
      %lt3A_356 = vector.broadcast %lt3A_355 : i32 to vector<16xi32>
      %lt3A_357 = arith.cmpi slt, %sub3A_354, %lt3A_356 : vector<16xi32>
      %ge3A_358 = arith.constant 50000 : i32
      %ge3A_359 = vector.broadcast %ge3A_358 : i32 to vector<16xi32>
      %ge3A_360 = arith.cmpi sge, %sub3A_354, %ge3A_359 : vector<16xi32>
      %or3A_361 = arith.ori %lt3A_357, %ge3A_360 : vector<16xi1>
      %jit3A_362 = arith.constant 50000 : i32
      %broadcast_in_dim3A_363 = vector.broadcast %jit3A_362 : i32 to vector<16xi32>
      %select_n3A_364 = arith.select %or3A_361, %broadcast_in_dim3A_363, %sub3A_354 : vector<16xi1>, vector<16xi32>
      %swap3A_365 = arith.constant 1 : i32
      %swap3A_366 = arith.index_cast %swap3A_365 : i32 to index
      %swap3A_367 = arith.constant 96 : index
      %swap3A_368 = tpu.vector_load %arg16[%swap3A_366, %swap3A_367] {strides = array<i32>} : memref<2x128xi32, #tpu.memory_space<vmem>>, vector<16xi32>,
      tpu.vector_store %arg16[%swap3A_366, %swap3A_367], %select_n3A_364 {strides = array<i32>} : memref<2x128xi32, #tpu.memory_space<vmem>>, vector<16xi32>,
      %get3A_369 = arith.constant 1 : i32
      %get3A_370 = arith.index_cast %get3A_369 : i32 to index
      %get3A_371 = arith.constant 112 : index
      %get3A_372 = tpu.vector_load %arg12[%get3A_370, %get3A_371] {strides = array<i32>} : memref<2x128xi32, #tpu.memory_space<vmem>>, vector<16xi32>,
      %sub3A_373 = vector.broadcast %mul3A_0 : i32 to vector<16xi32>
      %sub3A_374 = arith.subi %get3A_372, %sub3A_373 : vector<16xi32>
      %lt3A_375 = arith.constant 0 : i32
      %lt3A_376 = vector.broadcast %lt3A_375 : i32 to vector<16xi32>
      %lt3A_377 = arith.cmpi slt, %sub3A_374, %lt3A_376 : vector<16xi32>
      %ge3A_378 = arith.constant 50000 : i32
      %ge3A_379 = vector.broadcast %ge3A_378 : i32 to vector<16xi32>
      %ge3A_380 = arith.cmpi sge, %sub3A_374, %ge3A_379 : vector<16xi32>
      %or3A_381 = arith.ori %lt3A_377, %ge3A_380 : vector<16xi1>
      %jit3A_382 = arith.constant 50000 : i32
      %broadcast_in_dim3A_383 = vector.broadcast %jit3A_382 : i32 to vector<16xi32>
      %select_n3A_384 = arith.select %or3A_381, %broadcast_in_dim3A_383, %sub3A_374 : vector<16xi1>, vector<16xi32>
      %swap3A_385 = arith.constant 1 : i32
      %swap3A_386 = arith.index_cast %swap3A_385 : i32 to index
      %swap3A_387 = arith.constant 112 : index
      %swap3A_388 = tpu.vector_load %arg16[%swap3A_386, %swap3A_387] {strides = array<i32>} : memref<2x128xi32, #tpu.memory_space<vmem>>, vector<16xi32>,
      tpu.vector_store %arg16[%swap3A_386, %swap3A_387], %select_n3A_384 {strides = array<i32>} : memref<2x128xi32, #tpu.memory_space<vmem>>, vector<16xi32>,
      %dma_wait3A = arith.constant 0 : i32
      %dma_wait3A_389 = arith.constant 0 : i32
      %dma_wait3A_390 = arith.constant 0 : i32
      %dma_wait3A_391 = tpu.memref_slice %arg14[%dma_wait3A_389, %dma_wait3A_390] : memref<256x32xf32, #tpu.memory_space<vmem>> -> memref<128x32xf32, #tpu.memory_space<vmem>>
      %dma_wait3A_392 = arith.constant 0 : i32
      %dma_wait3A_393 = tpu.memref_slice %arg11[%dma_wait3A, %dma_wait3A_392] : memref<2x128xi32, #tpu.memory_space<vmem>> -> memref<1x128xi32, #tpu.memory_space<vmem>>
      %dma_wait3A_394 = tpu.memref_squeeze %dma_wait3A_393 : memref<1x128xi32, #tpu.memory_space<vmem>> -> memref<128xi32, #tpu.memory_space<vmem>>
      %dma_wait3A_395 = arith.constant 0 : i32
      %dma_wait3A_396 = arith.constant 0 : i32
      %dma_wait3A_397 = tpu.memref_slice %arg2[%dma_wait3A_395, %dma_wait3A_396] : memref<100000x32xf32, #tpu.memory_space<hbm>> -> memref<100000x32xf32, #tpu.memory_space<hbm>>
      tpu.wait_indirect_dma semaphore(%arg18 : memref<!tpu.dma_semaphore, #tpu.memory_space<semaphore_mem>>) src(%dma_wait3A_397 : memref<100000x32xf32, #tpu.memory_space<hbm>>) dst(%dma_wait3A_391 : memref<128x32xf32, #tpu.memory_space<vmem>>)
      %dma_wait3A_398 = arith.constant 0 : i32
      %dma_wait3A_399 = arith.constant 0 : i32
      %dma_wait3A_400 = arith.constant 0 : i32
      %dma_wait3A_401 = tpu.memref_slice %arg15[%dma_wait3A_399, %dma_wait3A_400] : memref<256x32xf32, #tpu.memory_space<vmem>> -> memref<128x32xf32, #tpu.memory_space<vmem>>
      %dma_wait3A_402 = arith.constant 0 : i32
      %dma_wait3A_403 = tpu.memref_slice %arg12[%dma_wait3A_398, %dma_wait3A_402] : memref<2x128xi32, #tpu.memory_space<vmem>> -> memref<1x128xi32, #tpu.memory_space<vmem>>
      %dma_wait3A_404 = tpu.memref_squeeze %dma_wait3A_403 : memref<1x128xi32, #tpu.memory_space<vmem>> -> memref<128xi32, #tpu.memory_space<vmem>>
      %dma_wait3A_405 = arith.constant 0 : i32
      %dma_wait3A_406 = arith.constant 0 : i32
      %dma_wait3A_407 = tpu.memref_slice %arg3[%dma_wait3A_405, %dma_wait3A_406] : memref<100000x32xf32, #tpu.memory_space<hbm>> -> memref<100000x32xf32, #tpu.memory_space<hbm>>
      tpu.wait_indirect_dma semaphore(%arg18 : memref<!tpu.dma_semaphore, #tpu.memory_space<semaphore_mem>>) src(%dma_wait3A_407 : memref<100000x32xf32, #tpu.memory_space<hbm>>) dst(%dma_wait3A_401 : memref<128x32xf32, #tpu.memory_space<vmem>>)
      %dma_wait3A_408 = arith.constant 1 : i32
      %dma_wait3A_409 = arith.constant 128 : i32
      %dma_wait3A_410 = arith.constant 0 : i32
      %dma_wait3A_411 = tpu.memref_slice %arg14[%dma_wait3A_409, %dma_wait3A_410] : memref<256x32xf32, #tpu.memory_space<vmem>> -> memref<128x32xf32, #tpu.memory_space<vmem>>
      %dma_wait3A_412 = arith.constant 0 : i32
      %dma_wait3A_413 = tpu.memref_slice %arg11[%dma_wait3A_408, %dma_wait3A_412] : memref<2x128xi32, #tpu.memory_space<vmem>> -> memref<1x128xi32, #tpu.memory_space<vmem>>
      %dma_wait3A_414 = tpu.memref_squeeze %dma_wait3A_413 : memref<1x128xi32, #tpu.memory_space<vmem>> -> memref<128xi32, #tpu.memory_space<vmem>>
      %dma_wait3A_415 = arith.constant 0 : i32
      %dma_wait3A_416 = arith.constant 0 : i32
      %dma_wait3A_417 = tpu.memref_slice %arg2[%dma_wait3A_415, %dma_wait3A_416] : memref<100000x32xf32, #tpu.memory_space<hbm>> -> memref<100000x32xf32, #tpu.memory_space<hbm>>
      tpu.wait_indirect_dma semaphore(%arg18 : memref<!tpu.dma_semaphore, #tpu.memory_space<semaphore_mem>>) src(%dma_wait3A_417 : memref<100000x32xf32, #tpu.memory_space<hbm>>) dst(%dma_wait3A_411 : memref<128x32xf32, #tpu.memory_space<vmem>>)
      %dma_wait3A_418 = arith.constant 1 : i32
      %dma_wait3A_419 = arith.constant 128 : i32
      %dma_wait3A_420 = arith.constant 0 : i32
      %dma_wait3A_421 = tpu.memref_slice %arg15[%dma_wait3A_419, %dma_wait3A_420] : memref<256x32xf32, #tpu.memory_space<vmem>> -> memref<128x32xf32, #tpu.memory_space<vmem>>
      %dma_wait3A_422 = arith.constant 0 : i32
      %dma_wait3A_423 = tpu.memref_slice %arg12[%dma_wait3A_418, %dma_wait3A_422] : memref<2x128xi32, #tpu.memory_space<vmem>> -> memref<1x128xi32, #tpu.memory_space<vmem>>
      %dma_wait3A_424 = tpu.memref_squeeze %dma_wait3A_423 : memref<1x128xi32, #tpu.memory_space<vmem>> -> memref<128xi32, #tpu.memory_space<vmem>>
      %dma_wait3A_425 = arith.constant 0 : i32
      %dma_wait3A_426 = arith.constant 0 : i32
      %dma_wait3A_427 = tpu.memref_slice %arg3[%dma_wait3A_425, %dma_wait3A_426] : memref<100000x32xf32, #tpu.memory_space<hbm>> -> memref<100000x32xf32, #tpu.memory_space<hbm>>
      tpu.wait_indirect_dma semaphore(%arg18 : memref<!tpu.dma_semaphore, #tpu.memory_space<semaphore_mem>>) src(%dma_wait3A_427 : memref<100000x32xf32, #tpu.memory_space<hbm>>) dst(%dma_wait3A_421 : memref<128x32xf32, #tpu.memory_space<vmem>>)
      %scan3A_428 = arith.constant 0 : i32
      %scan3A_429 = arith.constant 0 : i32
      %scan3A_430 = arith.constant 256 : i32
      %scan3A_431 = arith.addi %scan3A_429, %scan3A_430 : i32
      %scan3A_432 = arith.constant 1 : i32
      scf.for %scan3A_435 = %scan3A_429 to %scan3A_431 step %scan3A_432  : i32 {
        %broadcast_in_dim3A_436 = vector.broadcast %scan3A_435 : i32 to vector<16xi32>
        %gather3A = tpu.vector_load_idx %arg13[%broadcast_in_dim3A_436] : memref<256xf32, #tpu.memory_space<vmem>>[vector<16xi32>], vector<16xf32>,
        %ge3A_437 = arith.constant 0.000000e+00 : f32
        %ge3A_438 = vector.broadcast %ge3A_437 : f32 to vector<16xf32>
        %ge3A_439 = arith.cmpf oge, %gather3A, %ge3A_438 : vector<16xf32>
        %select_n3A_440 = arith.select %ge3A_439, %get3A_5, %get3A_13 : vector<16xi1>, vector<16xf32>
        %mul3A_441 = arith.mulf %gather3A, %select_n3A_440 : vector<16xf32>
        %select_n3A_442 = arith.select %ge3A_439, %get3A_9, %get3A_17 : vector<16xi1>, vector<16xf32>
        %mul3A_443 = arith.mulf %gather3A, %select_n3A_442 : vector<16xf32>
        %get3A_444 = arith.index_cast %scan3A_435 : i32 to index
        %get3A_445 = arith.constant 0 : index
        %get3A_446 = tpu.vector_load %arg14[%get3A_444, %get3A_445] {strides = array<i32>} : memref<256x32xf32, #tpu.memory_space<vmem>>, vector<16xf32>,
        %get3A_447 = arith.index_cast %scan3A_435 : i32 to index
        %get3A_448 = arith.constant 0 : index
        %get3A_449 = tpu.vector_load %arg15[%get3A_447, %get3A_448] {strides = array<i32>} : memref<256x32xf32, #tpu.memory_space<vmem>>, vector<16xf32>,
        %add3A_450 = arith.addf %get3A_446, %get3A_449 : vector<16xf32>
        %get3A_451 = arith.index_cast %scan3A_435 : i32 to index
        %get3A_452 = arith.constant 16 : index
        %get3A_453 = tpu.vector_load %arg14[%get3A_451, %get3A_452] {strides = array<i32>} : memref<256x32xf32, #tpu.memory_space<vmem>>, vector<16xf32>,
        %get3A_454 = arith.index_cast %scan3A_435 : i32 to index
        %get3A_455 = arith.constant 16 : index
        %get3A_456 = tpu.vector_load %arg15[%get3A_454, %get3A_455] {strides = array<i32>} : memref<256x32xf32, #tpu.memory_space<vmem>>, vector<16xf32>,
        %add3A_457 = arith.addf %get3A_453, %get3A_456 : vector<16xf32>
        %add3A_458 = arith.addf %add3A_450, %mul3A_441 : vector<16xf32>
        %max3A = arith.constant 0.000000e+00 : f32
        %max3A_459 = vector.broadcast %max3A : f32 to vector<16xf32>
        %max3A_460 = arith.maximumf %add3A_458, %max3A_459 : vector<16xf32>
        %swap3A_461 = arith.index_cast %scan3A_435 : i32 to index
        %swap3A_462 = arith.constant 0 : index
        %swap3A_463 = tpu.vector_load %arg15[%swap3A_461, %swap3A_462] {strides = array<i32>} : memref<256x32xf32, #tpu.memory_space<vmem>>, vector<16xf32>,
        tpu.vector_store %arg15[%swap3A_461, %swap3A_462], %max3A_460 {strides = array<i32>} : memref<256x32xf32, #tpu.memory_space<vmem>>, vector<16xf32>,
        %add3A_464 = arith.addf %add3A_457, %mul3A_443 : vector<16xf32>
        %max3A_465 = arith.constant 0.000000e+00 : f32
        %max3A_466 = vector.broadcast %max3A_465 : f32 to vector<16xf32>
        %max3A_467 = arith.maximumf %add3A_464, %max3A_466 : vector<16xf32>
        %swap3A_468 = arith.index_cast %scan3A_435 : i32 to index
        %swap3A_469 = arith.constant 16 : index
        %swap3A_470 = tpu.vector_load %arg15[%swap3A_468, %swap3A_469] {strides = array<i32>} : memref<256x32xf32, #tpu.memory_space<vmem>>, vector<16xf32>,
        tpu.vector_store %arg15[%swap3A_468, %swap3A_469], %max3A_467 {strides = array<i32>} : memref<256x32xf32, #tpu.memory_space<vmem>>, vector<16xf32>,
      }
      %scan3A_433 = arith.constant 256 : i32
      %run_scoped3A = arith.constant 0 : i32
      "tpu.region"() ({
        %run_scoped3A_435 = tpu.sem_alloc : memref<!tpu.dma_semaphore, #tpu.memory_space<semaphore_mem>>
        %dma_start3A_436 = arith.constant 0 : i32
        %dma_start3A_437 = arith.constant 0 : i32
        %dma_start3A_438 = tpu.memref_slice %arg15[%dma_start3A_436, %dma_start3A_437] : memref<256x32xf32, #tpu.memory_space<vmem>> -> memref<128x32xf32, #tpu.memory_space<vmem>>
        %dma_start3A_439 = arith.constant 0 : i32
        %dma_start3A_440 = tpu.memref_slice %arg16[%run_scoped3A, %dma_start3A_439] : memref<2x128xi32, #tpu.memory_space<vmem>> -> memref<1x128xi32, #tpu.memory_space<vmem>>
        %dma_start3A_441 = tpu.memref_squeeze %dma_start3A_440 : memref<1x128xi32, #tpu.memory_space<vmem>> -> memref<128xi32, #tpu.memory_space<vmem>>
        %dma_start3A_442 = arith.constant 0 : i32
        %dma_start3A_443 = arith.constant 0 : i32
        %dma_start3A_444 = tpu.memref_slice %arg10[%dma_start3A_442, %dma_start3A_443] : memref<50128x32xf32, #tpu.memory_space<vmem_shared>> -> memref<50128x32xf32, #tpu.memory_space<vmem_shared>>
        tpu.enqueue_indirect_dma source(%dma_start3A_438 : memref<128x32xf32, #tpu.memory_space<vmem>>) target(%dma_start3A_444 : memref<50128x32xf32, #tpu.memory_space<vmem_shared>>) offsets(%dma_start3A_441 : memref<128xi32, #tpu.memory_space<vmem>>) semaphore(%run_scoped3A_435 : memref<!tpu.dma_semaphore, #tpu.memory_space<semaphore_mem>>) {add = true}
        %dma_wait3A_445 = arith.constant 0 : i32
        %dma_wait3A_446 = arith.constant 0 : i32
        %dma_wait3A_447 = tpu.memref_slice %arg15[%dma_wait3A_445, %dma_wait3A_446] : memref<256x32xf32, #tpu.memory_space<vmem>> -> memref<128x32xf32, #tpu.memory_space<vmem>>
        %dma_wait3A_448 = arith.constant 0 : i32
        %dma_wait3A_449 = tpu.memref_slice %arg16[%run_scoped3A, %dma_wait3A_448] : memref<2x128xi32, #tpu.memory_space<vmem>> -> memref<1x128xi32, #tpu.memory_space<vmem>>
        %dma_wait3A_450 = tpu.memref_squeeze %dma_wait3A_449 : memref<1x128xi32, #tpu.memory_space<vmem>> -> memref<128xi32, #tpu.memory_space<vmem>>
        %dma_wait3A_451 = arith.constant 0 : i32
        %dma_wait3A_452 = arith.constant 0 : i32
        %dma_wait3A_453 = tpu.memref_slice %arg10[%dma_wait3A_451, %dma_wait3A_452] : memref<50128x32xf32, #tpu.memory_space<vmem_shared>> -> memref<50128x32xf32, #tpu.memory_space<vmem_shared>>
        tpu.wait_indirect_dma semaphore(%run_scoped3A_435 : memref<!tpu.dma_semaphore, #tpu.memory_space<semaphore_mem>>) src(%dma_wait3A_447 : memref<128x32xf32, #tpu.memory_space<vmem>>) dst(%dma_wait3A_453 : memref<50128x32xf32, #tpu.memory_space<vmem_shared>>)
        tpu.yield
      }) : () -> ()
      %run_scoped3A_434 = arith.constant 1 : i32
      "tpu.region"() ({
        %run_scoped3A_435 = tpu.sem_alloc : memref<!tpu.dma_semaphore, #tpu.memory_space<semaphore_mem>>
        %dma_start3A_436 = arith.constant 128 : i32
        %dma_start3A_437 = arith.constant 0 : i32
        %dma_start3A_438 = tpu.memref_slice %arg15[%dma_start3A_436, %dma_start3A_437] : memref<256x32xf32, #tpu.memory_space<vmem>> -> memref<128x32xf32, #tpu.memory_space<vmem>>
        %dma_start3A_439 = arith.constant 0 : i32
        %dma_start3A_440 = tpu.memref_slice %arg16[%run_scoped3A_434, %dma_start3A_439] : memref<2x128xi32, #tpu.memory_space<vmem>> -> memref<1x128xi32, #tpu.memory_space<vmem>>
        %dma_start3A_441 = tpu.memref_squeeze %dma_start3A_440 : memref<1x128xi32, #tpu.memory_space<vmem>> -> memref<128xi32, #tpu.memory_space<vmem>>
        %dma_start3A_442 = arith.constant 0 : i32
        %dma_start3A_443 = arith.constant 0 : i32
        %dma_start3A_444 = tpu.memref_slice %arg10[%dma_start3A_442, %dma_start3A_443] : memref<50128x32xf32, #tpu.memory_space<vmem_shared>> -> memref<50128x32xf32, #tpu.memory_space<vmem_shared>>
        tpu.enqueue_indirect_dma source(%dma_start3A_438 : memref<128x32xf32, #tpu.memory_space<vmem>>) target(%dma_start3A_444 : memref<50128x32xf32, #tpu.memory_space<vmem_shared>>) offsets(%dma_start3A_441 : memref<128xi32, #tpu.memory_space<vmem>>) semaphore(%run_scoped3A_435 : memref<!tpu.dma_semaphore, #tpu.memory_space<semaphore_mem>>) {add = true}
        %dma_wait3A_445 = arith.constant 128 : i32
        %dma_wait3A_446 = arith.constant 0 : i32
        %dma_wait3A_447 = tpu.memref_slice %arg15[%dma_wait3A_445, %dma_wait3A_446] : memref<256x32xf32, #tpu.memory_space<vmem>> -> memref<128x32xf32, #tpu.memory_space<vmem>>
        %dma_wait3A_448 = arith.constant 0 : i32
        %dma_wait3A_449 = tpu.memref_slice %arg16[%run_scoped3A_434, %dma_wait3A_448] : memref<2x128xi32, #tpu.memory_space<vmem>> -> memref<1x128xi32, #tpu.memory_space<vmem>>
        %dma_wait3A_450 = tpu.memref_squeeze %dma_wait3A_449 : memref<1x128xi32, #tpu.memory_space<vmem>> -> memref<128xi32, #tpu.memory_space<vmem>>
        %dma_wait3A_451 = arith.constant 0 : i32
        %dma_wait3A_452 = arith.constant 0 : i32
        %dma_wait3A_453 = tpu.memref_slice %arg10[%dma_wait3A_451, %dma_wait3A_452] : memref<50128x32xf32, #tpu.memory_space<vmem_shared>> -> memref<50128x32xf32, #tpu.memory_space<vmem_shared>>
        tpu.wait_indirect_dma semaphore(%run_scoped3A_435 : memref<!tpu.dma_semaphore, #tpu.memory_space<semaphore_mem>>) src(%dma_wait3A_447 : memref<128x32xf32, #tpu.memory_space<vmem>>) dst(%dma_wait3A_453 : memref<50128x32xf32, #tpu.memory_space<vmem_shared>>)
        tpu.yield
      }) : () -> ()
    }
    %scan3A_24 = arith.constant 391 : i32
    %barrier3A_25 = arith.constant 0 : index
    tpu.barrier barrier_id(%barrier3A_25)
    %lt3A = arith.constant 15 : i32
    %lt3A_26 = arith.cmpi slt, %arg1, %lt3A : i32
    %convert_element_type3A = arith.extui %lt3A_26 : i1 to i32
    %cond3A = arith.constant 0 : i32
    %cond3A_27 = arith.cmpi ne, %convert_element_type3A, %cond3A : i32
    scf.if %cond3A_27 {
      %mul3A_32 = arith.constant 3128 : i32
      %mul3A_33 = arith.muli %arg1, %mul3A_32 : i32
      %mul3A_34 = arith.constant 3128 : i32
      %mul3A_35 = arith.muli %arg1, %mul3A_34 : i32
      %add3A = arith.addi %mul3A_0, %mul3A_35 : i32
      "tpu.region"() ({
        %run_scoped3A = tpu.sem_alloc : memref<!tpu.dma_semaphore, #tpu.memory_space<semaphore_mem>>
        %dma_start3A = arith.constant 0 : i32
        %dma_start3A_36 = tpu.memref_slice %arg9[%add3A, %dma_start3A] : memref<100000x32xf32, #tpu.memory_space<hbm>> -> memref<3128x32xf32, #tpu.memory_space<hbm>>
        %dma_start3A_37 = arith.constant 0 : i32
        %dma_start3A_38 = tpu.memref_slice %arg10[%mul3A_33, %dma_start3A_37] : memref<50128x32xf32, #tpu.memory_space<vmem_shared>> -> memref<3128x32xf32, #tpu.memory_space<vmem_shared>>
        tpu.enqueue_dma source(%dma_start3A_38 : memref<3128x32xf32, #tpu.memory_space<vmem_shared>>) target(%dma_start3A_36 : memref<3128x32xf32, #tpu.memory_space<hbm>>) target_semaphore(%run_scoped3A : memref<!tpu.dma_semaphore, #tpu.memory_space<semaphore_mem>>)
        %dma_wait3A = arith.constant 0 : i32
        %dma_wait3A_39 = tpu.memref_slice %arg9[%add3A, %dma_wait3A] : memref<100000x32xf32, #tpu.memory_space<hbm>> -> memref<3128x32xf32, #tpu.memory_space<hbm>>
        %dma_wait3A_40 = arith.constant 0 : i32
        %dma_wait3A_41 = tpu.memref_slice %arg10[%mul3A_33, %dma_wait3A_40] : memref<50128x32xf32, #tpu.memory_space<vmem_shared>> -> memref<3128x32xf32, #tpu.memory_space<vmem_shared>>
        tpu.wait_dma2 semaphore(%run_scoped3A : memref<!tpu.dma_semaphore, #tpu.memory_space<semaphore_mem>>) src(%dma_wait3A_41 : memref<3128x32xf32, #tpu.memory_space<vmem_shared>>) dst(%dma_wait3A_39 : memref<3128x32xf32, #tpu.memory_space<hbm>>)
        tpu.yield
      }) : () -> ()
    } else {
    }
    %eq3A = arith.constant 15 : i32
    %eq3A_28 = arith.cmpi eq, %arg1, %eq3A : i32
    %convert_element_type3A_29 = arith.extui %eq3A_28 : i1 to i32
    %cond3A_30 = arith.constant 0 : i32
    %cond3A_31 = arith.cmpi ne, %convert_element_type3A_29, %cond3A_30 : i32
    scf.if %cond3A_31 {
      %add3A = arith.constant 46920 : i32
      %add3A_32 = arith.addi %mul3A_0, %add3A : i32
      "tpu.region"() ({
        %run_scoped3A = tpu.sem_alloc : memref<!tpu.dma_semaphore, #tpu.memory_space<semaphore_mem>>
        %dma_start3A = arith.constant 0 : i32
        %dma_start3A_33 = tpu.memref_slice %arg9[%add3A_32, %dma_start3A] : memref<100000x32xf32, #tpu.memory_space<hbm>> -> memref<3080x32xf32, #tpu.memory_space<hbm>>
        %dma_start3A_34 = arith.constant 46920 : i32
        %dma_start3A_35 = arith.constant 0 : i32
        %dma_start3A_36 = tpu.memref_slice %arg10[%dma_start3A_34, %dma_start3A_35] : memref<50128x32xf32, #tpu.memory_space<vmem_shared>> -> memref<3080x32xf32, #tpu.memory_space<vmem_shared>>
        tpu.enqueue_dma source(%dma_start3A_36 : memref<3080x32xf32, #tpu.memory_space<vmem_shared>>) target(%dma_start3A_33 : memref<3080x32xf32, #tpu.memory_space<hbm>>) target_semaphore(%run_scoped3A : memref<!tpu.dma_semaphore, #tpu.memory_space<semaphore_mem>>)
        %dma_wait3A = arith.constant 0 : i32
        %dma_wait3A_37 = tpu.memref_slice %arg9[%add3A_32, %dma_wait3A] : memref<100000x32xf32, #tpu.memory_space<hbm>> -> memref<3080x32xf32, #tpu.memory_space<hbm>>
        %dma_wait3A_38 = arith.constant 46920 : i32
        %dma_wait3A_39 = arith.constant 0 : i32
        %dma_wait3A_40 = tpu.memref_slice %arg10[%dma_wait3A_38, %dma_wait3A_39] : memref<50128x32xf32, #tpu.memory_space<vmem_shared>> -> memref<3080x32xf32, #tpu.memory_space<vmem_shared>>
        tpu.wait_dma2 semaphore(%run_scoped3A : memref<!tpu.dma_semaphore, #tpu.memory_space<semaphore_mem>>) src(%dma_wait3A_40 : memref<3080x32xf32, #tpu.memory_space<vmem_shared>>) dst(%dma_wait3A_37 : memref<3080x32xf32, #tpu.memory_space<hbm>>)
        tpu.yield
      }) : () -> ()
    } else {
    }
    return
  }
}

module attributes {stable_mosaic.version = 14 : i64} {
  func.func @_encode_body(%arg0: i32, %arg1: memref<2000x33xf32, #tpu.memory_space<vmem>>, %arg2: memref<33x32xf32, #tpu.memory_space<vmem>>, %arg3: memref<32x32xf32, #tpu.memory_space<vmem>>, %arg4: memref<32x32xf32, #tpu.memory_space<vmem>>, %arg5: memref<2000x32xf32, #tpu.memory_space<vmem>>, %arg6: memref<2000x32xf32, #tpu.memory_space<vmem>>, %arg7: memref<2000x32xf32, #tpu.memory_space<vmem>>) attributes {dimension_semantics = [#tpu.dimension_semantics<arbitrary>], iteration_bounds = array<i64: 50>, scalar_prefetch = 0 : i64, scratch_operands = 0 : i64, tpu.core_type = #tpu.core_type<tc>, window_params = [{transform_indices = @transform_0, window_bounds = array<i64: 2000, 33>}, {pipeline_mode = #tpu.pipeline_mode<synchronous>, transform_indices = @transform_1, window_bounds = array<i64: 33, 32>}, {pipeline_mode = #tpu.pipeline_mode<synchronous>, transform_indices = @transform_2, window_bounds = array<i64: 32, 32>}, {pipeline_mode = #tpu.pipeline_mode<synchronous>, transform_indices = @transform_3, window_bounds = array<i64: 32, 32>}, {transform_indices = @transform_4, window_bounds = array<i64: 2000, 32>}, {transform_indices = @transform_5, window_bounds = array<i64: 2000, 32>}, {transform_indices = @transform_6, window_bounds = array<i64: 2000, 32>}]} {
    %get3A = arith.constant 0 : index
    %get3A_0 = arith.constant 0 : index
    %get3A_1 = vector.load %arg1[%get3A, %get3A_0] : memref<2000x33xf32, #tpu.memory_space<vmem>>, vector<2000x33xf32>
    %get3A_2 = arith.constant 0 : index
    %get3A_3 = arith.constant 0 : index
    %get3A_4 = vector.load %arg2[%get3A_2, %get3A_3] : memref<33x32xf32, #tpu.memory_space<vmem>>, vector<33x32xf32>
    %dot_general3A = arith.constant dense<0.000000e+00> : vector<2000x32xf32>
    %dot_general3A_5 = tpu.matmul %get3A_1, %get3A_4, %dot_general3A {dimension_numbers = #tpu.dot_dimension_numbers<[1], [0], [0], [1], [0, 0, 1, 1], [], []>, precision = #tpu.contract_precision<fp32>, transpose_lhs_hint = false} : vector<2000x33xf32>, vector<33x32xf32>, vector<2000x32xf32> -> vector<2000x32xf32>
    %ge3A = arith.constant 0.000000e+00 : f32
    %ge3A_6 = vector.broadcast %ge3A : f32 to vector<2000x32xf32>
    %ge3A_7 = arith.cmpf oge, %dot_general3A_5, %ge3A_6 : vector<2000x32xf32>
    %mul3A = arith.constant 0.00999999977 : f32
    %mul3A_8 = vector.broadcast %mul3A : f32 to vector<2000x32xf32>
    %mul3A_9 = arith.mulf %mul3A_8, %dot_general3A_5 : vector<2000x32xf32>
    %select_n3A = arith.select %ge3A_7, %dot_general3A_5, %mul3A_9 : vector<2000x32xi1>, vector<2000x32xf32>
    %swap3A = arith.constant 0 : index
    %swap3A_10 = arith.constant 0 : index
    %swap3A_11 = vector.load %arg5[%swap3A, %swap3A_10] : memref<2000x32xf32, #tpu.memory_space<vmem>>, vector<2000x32xf32>
    tpu.vector_store %arg5[%swap3A, %swap3A_10], %select_n3A {strides = array<i32>} : memref<2000x32xf32, #tpu.memory_space<vmem>>, vector<2000x32xf32>,
    %get3A_12 = arith.constant 0 : index
    %get3A_13 = arith.constant 0 : index
    %get3A_14 = vector.load %arg3[%get3A_12, %get3A_13] : memref<32x32xf32, #tpu.memory_space<vmem>>, vector<32x32xf32>
    %dot_general3A_15 = arith.constant dense<0.000000e+00> : vector<2000x32xf32>
    %dot_general3A_16 = tpu.matmul %select_n3A, %get3A_14, %dot_general3A_15 {dimension_numbers = #tpu.dot_dimension_numbers<[1], [0], [0], [1], [0, 0, 1, 1], [], []>, precision = #tpu.contract_precision<fp32>, transpose_lhs_hint = false} : vector<2000x32xf32>, vector<32x32xf32>, vector<2000x32xf32> -> vector<2000x32xf32>
    %swap3A_17 = arith.constant 0 : index
    %swap3A_18 = arith.constant 0 : index
    %swap3A_19 = vector.load %arg6[%swap3A_17, %swap3A_18] : memref<2000x32xf32, #tpu.memory_space<vmem>>, vector<2000x32xf32>
    tpu.vector_store %arg6[%swap3A_17, %swap3A_18], %dot_general3A_16 {strides = array<i32>} : memref<2000x32xf32, #tpu.memory_space<vmem>>, vector<2000x32xf32>,
    %get3A_20 = arith.constant 0 : index
    %get3A_21 = arith.constant 0 : index
    %get3A_22 = vector.load %arg4[%get3A_20, %get3A_21] : memref<32x32xf32, #tpu.memory_space<vmem>>, vector<32x32xf32>
    %dot_general3A_23 = arith.constant dense<0.000000e+00> : vector<2000x32xf32>
    %dot_general3A_24 = tpu.matmul %select_n3A, %get3A_22, %dot_general3A_23 {dimension_numbers = #tpu.dot_dimension_numbers<[1], [0], [0], [1], [0, 0, 1, 1], [], []>, precision = #tpu.contract_precision<fp32>, transpose_lhs_hint = false} : vector<2000x32xf32>, vector<32x32xf32>, vector<2000x32xf32> -> vector<2000x32xf32>
    %swap3A_25 = arith.constant 0 : index
    %swap3A_26 = arith.constant 0 : index
    %swap3A_27 = vector.load %arg7[%swap3A_25, %swap3A_26] : memref<2000x32xf32, #tpu.memory_space<vmem>>, vector<2000x32xf32>
    tpu.vector_store %arg7[%swap3A_25, %swap3A_26], %dot_general3A_24 {strides = array<i32>} : memref<2000x32xf32, #tpu.memory_space<vmem>>, vector<2000x32xf32>,
    return
  }
  func.func @transform_0(%arg0: i32) -> (i32, i32) {
    %c0_i32 = arith.constant 0 : i32
    %c0_i32_0 = arith.constant 0 : i32
    return %arg0, %c0_i32 : i32, i32
  }
  func.func @transform_1(%arg0: i32) -> (i32, i32) {
    %c0_i32 = arith.constant 0 : i32
    %c0_i32_0 = arith.constant 0 : i32
    %c0_i32_1 = arith.constant 0 : i32
    return %c0_i32, %c0_i32_0 : i32, i32
  }
  func.func @transform_2(%arg0: i32) -> (i32, i32) {
    %c0_i32 = arith.constant 0 : i32
    %c0_i32_0 = arith.constant 0 : i32
    %c0_i32_1 = arith.constant 0 : i32
    return %c0_i32, %c0_i32_0 : i32, i32
  }
  func.func @transform_3(%arg0: i32) -> (i32, i32) {
    %c0_i32 = arith.constant 0 : i32
    %c0_i32_0 = arith.constant 0 : i32
    %c0_i32_1 = arith.constant 0 : i32
    return %c0_i32, %c0_i32_0 : i32, i32
  }
  func.func @transform_4(%arg0: i32) -> (i32, i32) {
    %c0_i32 = arith.constant 0 : i32
    %c0_i32_0 = arith.constant 0 : i32
    return %arg0, %c0_i32 : i32, i32
  }
  func.func @transform_5(%arg0: i32) -> (i32, i32) {
    %c0_i32 = arith.constant 0 : i32
    %c0_i32_0 = arith.constant 0 : i32
    return %arg0, %c0_i32 : i32, i32
  }
  func.func @transform_6(%arg0: i32) -> (i32, i32) {
    %c0_i32 = arith.constant 0 : i32
    %c0_i32_0 = arith.constant 0 : i32
    return %arg0, %c0_i32 : i32, i32
  }
}

module attributes {stable_mosaic.version = 14 : i64} {
  func.func @_decode_body(%arg0: i32, %arg1: memref<2000x32xf32, #tpu.memory_space<vmem>>, %arg2: memref<2000x32xf32, #tpu.memory_space<vmem>>, %arg3: memref<32x32xf32, #tpu.memory_space<vmem>>, %arg4: memref<32x32xf32, #tpu.memory_space<vmem>>, %arg5: memref<32x1xf32, #tpu.memory_space<vmem>>, %arg6: memref<32x1xf32, #tpu.memory_space<vmem>>, %arg7: memref<1x32xf32, #tpu.memory_space<vmem>>, %arg8: memref<2000x1xf32, #tpu.memory_space<vmem>>, %arg9: memref<2000x32xf32, #tpu.memory_space<vmem>>, %arg10: memref<1x1xf32, #tpu.memory_space<vmem>>, %arg11: memref<8x32xf32, #tpu.memory_space<vmem>>) attributes {dimension_semantics = [#tpu.dimension_semantics<arbitrary>], iteration_bounds = array<i64: 50>, scalar_prefetch = 0 : i64, scratch_operands = 1 : i64, tpu.core_type = #tpu.core_type<tc>, window_params = [{transform_indices = @transform_0, window_bounds = array<i64: 2000, 32>}, {transform_indices = @transform_1, window_bounds = array<i64: 2000, 32>}, {pipeline_mode = #tpu.pipeline_mode<synchronous>, transform_indices = @transform_2, window_bounds = array<i64: 32, 32>}, {pipeline_mode = #tpu.pipeline_mode<synchronous>, transform_indices = @transform_3, window_bounds = array<i64: 32, 32>}, {pipeline_mode = #tpu.pipeline_mode<synchronous>, transform_indices = @transform_4, window_bounds = array<i64: 32, 1>}, {pipeline_mode = #tpu.pipeline_mode<synchronous>, transform_indices = @transform_5, window_bounds = array<i64: 32, 1>}, {pipeline_mode = #tpu.pipeline_mode<synchronous>, transform_indices = @transform_6, window_bounds = array<i64: 1, 32>}, {transform_indices = @transform_7, window_bounds = array<i64: 2000, 1>}, {transform_indices = @transform_8, window_bounds = array<i64: 2000, 32>}, {pipeline_mode = #tpu.pipeline_mode<synchronous>, transform_indices = @transform_9, window_bounds = array<i64: 1, 1>}]} {
    %get3A = arith.constant 0 : index
    %get3A_0 = arith.constant 0 : index
    %get3A_1 = vector.load %arg1[%get3A, %get3A_0] : memref<2000x32xf32, #tpu.memory_space<vmem>>, vector<2000x32xf32>
    %get3A_2 = arith.constant 0 : index
    %get3A_3 = arith.constant 0 : index
    %get3A_4 = vector.load %arg2[%get3A_2, %get3A_3] : memref<2000x32xf32, #tpu.memory_space<vmem>>, vector<2000x32xf32>
    %get3A_5 = arith.constant 0 : index
    %get3A_6 = arith.constant 0 : index
    %get3A_7 = vector.load %arg3[%get3A_5, %get3A_6] : memref<32x32xf32, #tpu.memory_space<vmem>>, vector<32x32xf32>
    %dot_general3A = arith.constant dense<0.000000e+00> : vector<2000x32xf32>
    %dot_general3A_8 = tpu.matmul %get3A_1, %get3A_7, %dot_general3A {dimension_numbers = #tpu.dot_dimension_numbers<[1], [0], [0], [1], [0, 0, 1, 1], [], []>, precision = #tpu.contract_precision<fp32>, transpose_lhs_hint = false} : vector<2000x32xf32>, vector<32x32xf32>, vector<2000x32xf32> -> vector<2000x32xf32>
    %get3A_9 = arith.constant 0 : index
    %get3A_10 = arith.constant 0 : index
    %get3A_11 = vector.load %arg4[%get3A_9, %get3A_10] : memref<32x32xf32, #tpu.memory_space<vmem>>, vector<32x32xf32>
    %dot_general3A_12 = arith.constant dense<0.000000e+00> : vector<2000x32xf32>
    %dot_general3A_13 = tpu.matmul %get3A_4, %get3A_11, %dot_general3A_12 {dimension_numbers = #tpu.dot_dimension_numbers<[1], [0], [0], [1], [0, 0, 1, 1], [], []>, precision = #tpu.contract_precision<fp32>, transpose_lhs_hint = false} : vector<2000x32xf32>, vector<32x32xf32>, vector<2000x32xf32> -> vector<2000x32xf32>
    %add3A = arith.addf %dot_general3A_8, %dot_general3A_13 : vector<2000x32xf32>
    %max3A = arith.constant 0.000000e+00 : f32
    %max3A_14 = vector.broadcast %max3A : f32 to vector<2000x32xf32>
    %max3A_15 = arith.maximumf %add3A, %max3A_14 : vector<2000x32xf32>
    %swap3A = arith.constant 0 : index
    %swap3A_16 = arith.constant 0 : index
    %swap3A_17 = vector.load %arg9[%swap3A, %swap3A_16] : memref<2000x32xf32, #tpu.memory_space<vmem>>, vector<2000x32xf32>
    tpu.vector_store %arg9[%swap3A, %swap3A_16], %max3A_15 {strides = array<i32>} : memref<2000x32xf32, #tpu.memory_space<vmem>>, vector<2000x32xf32>,
    %get3A_18 = arith.constant 0 : index
    %get3A_19 = arith.constant 0 : index
    %get3A_20 = vector.load %arg5[%get3A_18, %get3A_19] : memref<32x1xf32, #tpu.memory_space<vmem>>, vector<32x1xf32>
    %dot_general3A_21 = arith.constant dense<0.000000e+00> : vector<2000x1xf32>
    %dot_general3A_22 = tpu.matmul %get3A_1, %get3A_20, %dot_general3A_21 {dimension_numbers = #tpu.dot_dimension_numbers<[1], [0], [0], [1], [0, 0, 1, 1], [], []>, precision = #tpu.contract_precision<fp32>, transpose_lhs_hint = false} : vector<2000x32xf32>, vector<32x1xf32>, vector<2000x1xf32> -> vector<2000x1xf32>
    %get3A_23 = arith.constant 0 : index
    %get3A_24 = arith.constant 0 : index
    %get3A_25 = vector.load %arg6[%get3A_23, %get3A_24] : memref<32x1xf32, #tpu.memory_space<vmem>>, vector<32x1xf32>
    %dot_general3A_26 = arith.constant dense<0.000000e+00> : vector<2000x1xf32>
    %dot_general3A_27 = tpu.matmul %max3A_15, %get3A_25, %dot_general3A_26 {dimension_numbers = #tpu.dot_dimension_numbers<[1], [0], [0], [1], [0, 0, 1, 1], [], []>, precision = #tpu.contract_precision<fp32>, transpose_lhs_hint = false} : vector<2000x32xf32>, vector<32x1xf32>, vector<2000x1xf32> -> vector<2000x1xf32>
    %add3A_28 = arith.addf %dot_general3A_22, %dot_general3A_27 : vector<2000x1xf32>
    %swap3A_29 = arith.constant 0 : index
    %swap3A_30 = arith.constant 0 : index
    %swap3A_31 = vector.load %arg8[%swap3A_29, %swap3A_30] : memref<2000x1xf32, #tpu.memory_space<vmem>>, vector<2000x1xf32>
    tpu.vector_store %arg8[%swap3A_29, %swap3A_30], %add3A_28 {strides = array<i32>} : memref<2000x1xf32, #tpu.memory_space<vmem>>, vector<2000x1xf32>,
    %eq3A = arith.constant 0 : i32
    %eq3A_32 = arith.cmpi eq, %arg0, %eq3A : i32
    %convert_element_type3A = arith.extui %eq3A_32 : i1 to i32
    %cond3A = arith.constant 0 : i32
    %cond3A_33 = arith.cmpi ne, %convert_element_type3A, %cond3A : i32
    scf.if %cond3A_33 {
      %broadcast_in_dim3A = arith.constant 0.000000e+00 : f32
      %broadcast_in_dim3A_47 = vector.broadcast %broadcast_in_dim3A : f32 to vector<8x32xf32>
      %swap3A_48 = arith.constant 0 : index
      %swap3A_49 = arith.constant 0 : index
      %swap3A_50 = vector.load %arg11[%swap3A_48, %swap3A_49] : memref<8x32xf32, #tpu.memory_space<vmem>>, vector<8x32xf32>
      tpu.vector_store %arg11[%swap3A_48, %swap3A_49], %broadcast_in_dim3A_47 {strides = array<i32>} : memref<8x32xf32, #tpu.memory_space<vmem>>, vector<8x32xf32>,
    } else {
    }
    %get3A_34 = arith.constant 0 : index
    %get3A_35 = arith.constant 0 : index
    %get3A_36 = vector.load %arg11[%get3A_34, %get3A_35] : memref<8x32xf32, #tpu.memory_space<vmem>>, vector<8x32xf32>
    %reshape3A = vector.shape_cast %max3A_15 : vector<2000x32xf32> to vector<250x8x32xf32>
    %reduce_sum3A = arith.constant dense<0.000000e+00> : vector<8x32xf32>
    %reduce_sum3A_37 = vector.multi_reduction <add>, %reshape3A, %reduce_sum3A [0] : vector<250x8x32xf32> to vector<8x32xf32>
    %add3A_38 = arith.addf %get3A_36, %reduce_sum3A_37 : vector<8x32xf32>
    %swap3A_39 = arith.constant 0 : index
    %swap3A_40 = arith.constant 0 : index
    %swap3A_41 = vector.load %arg11[%swap3A_39, %swap3A_40] : memref<8x32xf32, #tpu.memory_space<vmem>>, vector<8x32xf32>
    tpu.vector_store %arg11[%swap3A_39, %swap3A_40], %add3A_38 {strides = array<i32>} : memref<8x32xf32, #tpu.memory_space<vmem>>, vector<8x32xf32>,
    %eq3A_42 = arith.constant 49 : i32
    %eq3A_43 = arith.cmpi eq, %arg0, %eq3A_42 : i32
    %convert_element_type3A_44 = arith.extui %eq3A_43 : i1 to i32
    %cond3A_45 = arith.constant 0 : i32
    %cond3A_46 = arith.cmpi ne, %convert_element_type3A_44, %cond3A_45 : i32
    scf.if %cond3A_46 {
      %get3A_47 = arith.constant 0 : index
      %get3A_48 = arith.constant 0 : index
      %get3A_49 = vector.load %arg11[%get3A_47, %get3A_48] : memref<8x32xf32, #tpu.memory_space<vmem>>, vector<8x32xf32>
      %get3A_50 = arith.constant 0 : index
      %get3A_51 = arith.constant 0 : index
      %get3A_52 = vector.load %arg7[%get3A_50, %get3A_51] : memref<1x32xf32, #tpu.memory_space<vmem>>, vector<1x32xf32>
      %mul3A = vector.broadcast %get3A_52 : vector<1x32xf32> to vector<8x32xf32>
      %mul3A_53 = arith.mulf %get3A_49, %mul3A : vector<8x32xf32>
      %reduce_sum3A_54 = vector.shape_cast %mul3A_53 : vector<8x32xf32> to vector<1x8x32xf32>
      %reduce_sum3A_55 = arith.constant dense<0.000000e+00> : vector<1xf32>
      %reduce_sum3A_56 = vector.multi_reduction <add>, %reduce_sum3A_54, %reduce_sum3A_55 [1, 2] : vector<1x8x32xf32> to vector<1xf32>
      %reduce_sum3A_57 = vector.shape_cast %reduce_sum3A_56 : vector<1xf32> to vector<1x1x1xf32>
      %reduce_sum3A_58 = vector.extract %reduce_sum3A_57[0, 0, 0] : f32 from vector<1x1x1xf32>
      %div3A = arith.constant 1.000000e+05 : f32
      %div3A_59 = arith.divf %reduce_sum3A_58, %div3A : f32
      %broadcast_in_dim3A = vector.broadcast %div3A_59 : f32 to vector<1x1xf32>
      %swap3A_60 = arith.constant 0 : index
      %swap3A_61 = arith.constant 0 : index
      %swap3A_62 = vector.load %arg10[%swap3A_60, %swap3A_61] : memref<1x1xf32, #tpu.memory_space<vmem>>, vector<1x1xf32>
      tpu.vector_store %arg10[%swap3A_60, %swap3A_61], %broadcast_in_dim3A {strides = array<i32>} : memref<1x1xf32, #tpu.memory_space<vmem>>, vector<1x1xf32>,
    } else {
    }
    return
  }
  func.func @transform_0(%arg0: i32) -> (i32, i32) {
    %c0_i32 = arith.constant 0 : i32
    %c0_i32_0 = arith.constant 0 : i32
    return %arg0, %c0_i32 : i32, i32
  }
  func.func @transform_1(%arg0: i32) -> (i32, i32) {
    %c0_i32 = arith.constant 0 : i32
    %c0_i32_0 = arith.constant 0 : i32
    return %arg0, %c0_i32 : i32, i32
  }
  func.func @transform_2(%arg0: i32) -> (i32, i32) {
    %c0_i32 = arith.constant 0 : i32
    %c0_i32_0 = arith.constant 0 : i32
    %c0_i32_1 = arith.constant 0 : i32
    return %c0_i32, %c0_i32_0 : i32, i32
  }
  func.func @transform_3(%arg0: i32) -> (i32, i32) {
    %c0_i32 = arith.constant 0 : i32
    %c0_i32_0 = arith.constant 0 : i32
    %c0_i32_1 = arith.constant 0 : i32
    return %c0_i32, %c0_i32_0 : i32, i32
  }
  func.func @transform_4(%arg0: i32) -> (i32, i32) {
    %c0_i32 = arith.constant 0 : i32
    %c0_i32_0 = arith.constant 0 : i32
    %c0_i32_1 = arith.constant 0 : i32
    return %c0_i32, %c0_i32_0 : i32, i32
  }
  func.func @transform_5(%arg0: i32) -> (i32, i32) {
    %c0_i32 = arith.constant 0 : i32
    %c0_i32_0 = arith.constant 0 : i32
    %c0_i32_1 = arith.constant 0 : i32
    return %c0_i32, %c0_i32_0 : i32, i32
  }
  func.func @transform_6(%arg0: i32) -> (i32, i32) {
    %c0_i32 = arith.constant 0 : i32
    %c0_i32_0 = arith.constant 0 : i32
    %c0_i32_1 = arith.constant 0 : i32
    return %c0_i32, %c0_i32_0 : i32, i32
  }
  func.func @transform_7(%arg0: i32) -> (i32, i32) {
    %c0_i32 = arith.constant 0 : i32
    %c0_i32_0 = arith.constant 0 : i32
    return %arg0, %c0_i32 : i32, i32
  }
  func.func @transform_8(%arg0: i32) -> (i32, i32) {
    %c0_i32 = arith.constant 0 : i32
    %c0_i32_0 = arith.constant 0 : i32
    return %arg0, %c0_i32 : i32, i32
  }
  func.func @transform_9(%arg0: i32) -> (i32, i32) {
    %c0_i32 = arith.constant 0 : i32
    %c0_i32_0 = arith.constant 0 : i32
    %c0_i32_1 = arith.constant 0 : i32
    return %c0_i32, %c0_i32_0 : i32, i32
  }
}

</mosaic_0001>

<sc_bundles>
// kernel: kernel.5.cloned.1.call-start
scs
__scs_entry_jumppad:
0x0: {  	(pc) =	sbr.rel $0x88, $3  }
0x1: {  	(tag) =	ssettag $0x0;
	lr =	simm.s32 $0x1  }
0x2: {  	[smem:$0x3F97] =	sst lr;
	_ =	strace $0xD0000000  }
0x3: {  	_ = 	snop  }
0x4: {  	_ = 	snop  }
0x5: {  	_ = 	snop  }
0x6: {  	_ = 	snop  }
0x7: {  	_ = 	snop  }
__scs_overlays_trampoline_lowered:
0x8: {  	[smem:$0x3FA6] =	sst s0  }
0x9: {  	[smem:$0x3FA7] =	sst s1  }
0xa: {  	[smem:$0x3FA8] =	sst s2  }
0xb: {  	[smem:$0x3FA9] =	sst s3  }
0xc: {  	[smem:$0x3FAA] =	sst s4  }
0xd: {  	[smem:$0x3FAB] =	sst s5  }
0xe: {  	[smem:$0x3FAC] =	sst s6  }
0xf: {  	[smem:$0x3FAD] =	sst s7  }
0x10: {  	[smem:$0x3FAE] =	sst s8  }
0x11: {  	[smem:$0x3FAF] =	sst s9;
	s0 =	simm.s32 @!p0 $0x0  }
0x12: {  	s1 =	sld [smem:$0x3F95];
	s0 =	simm.s32 @p0 $0x1  }
0x13: {  	[smem:$0x3FB0] =	sst s0;
	s0 =	simm.s32 @!p1 $0x0  }
0x14: {  	s2 =	sld [smem:$0x3F94];
	s0 =	simm.s32 @p1 $0x1  }
0x15: {  	[smem:$0x3FB1] =	sst s0;
	s0 =	simm.s32 @!p2 $0x0  }
0x16: {  	s3 =	sld [smem:$0x3FDB];
	s0 =	simm.s32 @p2 $0x1  }
0x17: {  	s4 =	simm.s32 $0x1BF5;
	[smem:$0x3FB3] =	sst s0  }
0x18: {  	s0 =	sld [smem:$0x3F96];
	_ =	swait.ge [sflag:s4], $0x0  }
0x19: {  	s7 =	sld [smem:$0x3F97]  }
0x1a: {  	s8 =	sadd.s32 $0xFFFFE003, lr  }
0x1b: {  	s9 =	sadd.s32 $0xFFFFFEF7, lr;
	s5 =	simm.s32 $0xFFFFFFFF;
	p2 =	slt.u32 s8, $0xFFFFF086  }
0x1c: {  	p1 =	slt.u32 s9, $0xF7A;
	s5 =	simm.s32 @!p2 $0x0  }
0x1d: {  	s5 =	simm.s32 @p1 $0x1;
	p0 =	seq.s32 s7, s2  }
0x1e: {  	s7 =	smul.u32 @!p0 $0xF7A, s2;
	p2 =	seq.s32 @!p0 s5, $0x0  }
0x1f: {  	s9 =	smul.u32 $0xF7A, s1;
	s8 =	simm.s32 @!p0 $0x1BF5;
	p2 =	por !p2, p0  }
0x20: {  	[sflag:s8] =	ssyncset.s32 @!p0 $0xFFFFF086;
	s6 =	sadd.s32 @!p0 s3, s7;
	s7 =	simm.s32 @!p0 $0x108  }
0x21: {  	s3 =	sadd.s32 s3, s9;
	s6 =	sadd.s32 @!p0 $0x88, s6;
	s7 =	simm.s32 @p2 $0x1082  }
0x22: {  	[simem:s7], [sflag:s8] =	dma.local @!p0 [hbm:s6], $0xF7A  }
0x23: {  	s9 =	sor.u32 $0xD0000000, s2;
	s6 =	simm.s32 $0x108;
	_ =	swait.ge @!p0 [sflag:s8], $0x0  }
0x24: {  	s3 =	sadd.s32 $0x88, s3;
	s6 =	simm.s32 @!p1 $0x1082;
	[sflag:s4] =	ssyncset.s32 $0xFFFFF086  }
0x25: {  	[simem:s6], [sflag:s4] =	dma.local [hbm:s3], $0xF7A  }
0x26: {  	[smem:$0x3F97] =	sst s1;
	(tag) =	ssettag s2;
	_ =	strace s9  }
0x27: {  	s1 =	sld [smem:$0x3FA7]  }
0x28: {  	s2 =	sld [smem:$0x3FA8]  }
0x29: {  	s4 =	sld [smem:$0x3FAA]  }
0x2a: {  	p0 =	seq.s32 s5, $0x0;
	s5 =	sld [smem:$0x3FAB]  }
0x2b: {  	s6 =	sld [smem:$0x3FAC]  }
0x2c: {  	s7 =	sld [smem:$0x3FAD]  }
0x2d: {  	s3 =	simm.s32 $0x108;
	s8 =	sld [smem:$0x3FAE]  }
0x2e: {  	s3 =	simm.s32 @!p0 $0x1082;
	s9 =	sld [smem:$0x3FAF]  }
0x2f: {  	lr =	sadd.s32 s0, s3;
	s0 =	sld [smem:$0x3FA6]  }
0x30: {  	s3 =	sld [smem:$0x3FA9]  }
0x31: {  	[smem:$0x3FB2] =	sst s10  }
0x32: {  	s10 =	sld [smem:$0x3FB0];
	_ =	sdelay $0x3  }
0x33: {  	p0 =	seq.s32 s10, $0x1;
	s10 =	sld [smem:$0x3FB2];
	_ =	sdelay $0x3  }
0x34: {  	[smem:$0x3FB2] =	sst s10  }
0x35: {  	s10 =	sld [smem:$0x3FB1];
	_ =	sdelay $0x3  }
0x36: {  	p1 =	seq.s32 s10, $0x1;
	s10 =	sld [smem:$0x3FB2];
	_ =	sdelay $0x3  }
0x37: {  	[smem:$0x3FB2] =	sst s10  }
0x38: {  	s10 =	sld [smem:$0x3FB3]  }
0x39: {  	_ = 	snop;
	(pc) =	sbr.ind lr, $3  }
0x3a: {  	_ = 	snop  }
0x3b: {  	_ = 	snop  }
0x3c: {  	p2 =	seq.s32 s10, $0x1;
	s10 =	sld [smem:$0x3FB2]  }
0x3d: {  	_ =	shalt  }
0x3e: {  	_ =	shalt  }
0x3f: {  	_ =	shalt  }
0x40: {  	_ =	shalt  }
0x41: {  	_ =	shalt  }
0x42: {  	_ =	shalt  }
0x43: {  	_ =	shalt  }
0x44: {  	_ =	shalt  }
0x45: {  	_ =	shalt  }
0x46: {  	_ =	shalt  }
0x47: {  	_ =	shalt  }
0x48: {  	_ =	shalt  }
0x49: {  	_ =	shalt  }
0x4a: {  	_ =	shalt  }
0x4b: {  	_ =	shalt  }
0x4c: {  	_ =	shalt  }
0x4d: {  	_ =	shalt  }
0x4e: {  	_ =	shalt  }
0x4f: {  	_ =	shalt  }
0x50: {  	_ =	shalt  }
0x51: {  	_ =	shalt  }
0x52: {  	_ =	shalt  }
0x53: {  	_ =	shalt  }
0x54: {  	_ =	shalt  }
0x55: {  	_ =	shalt  }
0x56: {  	_ =	shalt  }
0x57: {  	_ =	shalt  }
0x58: {  	_ =	shalt  }
0x59: {  	_ =	shalt  }
0x5a: {  	_ =	shalt  }
0x5b: {  	_ =	shalt  }
0x5c: {  	_ =	shalt  }
0x5d: {  	_ =	shalt  }
0x5e: {  	_ =	shalt  }
0x5f: {  	_ =	shalt  }
0x60: {  	_ =	shalt  }
0x61: {  	_ =	shalt  }
0x62: {  	_ =	shalt  }
0x63: {  	_ =	shalt  }
0x64: {  	_ =	shalt  }
0x65: {  	_ =	shalt  }
0x66: {  	_ =	shalt  }
0x67: {  	_ =	shalt  }
0x68: {  	_ =	shalt  }
0x69: {  	_ =	shalt  }
0x6a: {  	_ =	shalt  }
0x6b: {  	_ =	shalt  }
0x6c: {  	_ =	shalt  }
0x6d: {  	_ =	shalt  }
0x6e: {  	_ =	shalt  }
0x6f: {  	_ =	shalt  }
0x70: {  	_ =	shalt  }
0x71: {  	_ =	shalt  }
0x72: {  	_ =	shalt  }
0x73: {  	_ =	shalt  }
0x74: {  	_ =	shalt  }
0x75: {  	_ =	shalt  }
0x76: {  	_ =	shalt  }
0x77: {  	_ =	shalt  }
0x78: {  	_ =	shalt  }
0x79: {  	_ =	shalt  }
0x7a: {  	_ =	shalt  }
0x7b: {  	_ =	shalt  }
0x7c: {  	_ =	shalt  }
0x7d: {  	_ =	shalt  }
0x7e: {  	_ =	shalt  }
0x7f: {  	_ =	shalt  }
0x80: {  	_ =	shalt  }
0x81: {  	_ =	shalt  }
0x82: {  	_ =	shalt  }
0x83: {  	_ =	shalt  }
0x84: {  	_ =	shalt  }
0x85: {  	_ =	shalt  }
0x86: {  	_ =	shalt  }
0x87: {  	_ =	shalt  }
.Lfunc_end0:
.L_simem_size_0:
called_computation_lowered:
.L_overlay_start_0:
0x88: {  	s2 =	sld [smem:$0x3FD9]  }
0x89: {  	s3 =	sld [smem:$0x3FFE];
	_ =	sdelay $0x1  }
0x8a: {  	s1 =	srdreg.scid  }
0x8b: {  	s0 =	sand.u32 $0x1, s1  }
0x8c: {  	s14 =	sshll.u32 s0, $0xA;
	s2 =	sadd.s32 s3, s2  }
0x8d: {  	s2 =	sadd.s32 s2, s14  }
0x8e: {  	[smem:$0x3FBE] =	sst s2  }
0x8f: {  	_ = 	snop  }
0x90: {  	s2 =	sld [smem:$0x3FD0];
	_ =	sdelay $0x2  }
0x91: {  	s15 =	simm.s32 $0xA;
	s4 =	simm.s32 $0x10  }
0x92: {  	[smem:s4], [sflag:s15] =	dma.local [hbm:s2], $0x1  }
0x93: {  	_ =	swait.eq [sflag:s15], $0x1  }
0x94: {  	[sflag:s15] =	ssyncset.done $0x0  }
0x95: {  	s16 =	sld [smem:$0x11];
	[sflag:s15] =	ssyncadd.s32 $0xFFFFFFFF  }
0x96: {  	s17 =	sld [smem:$0x12];
	(tm) =	ssettm $0x1  }
0x97: {  	s18 =	sld [smem:$0x3FFB];
	_ =	sdelay $0x3  }
0x98: {  	_ =	strace s18  }
0x99: {  	s4 =	sld [smem:$0x3FFC];
	_ =	sdelay $0x3  }
0x9a: {  	_ =	strace s4  }
0x9b: {  	s4 =	sld [smem:$0x3FFD];
	_ =	sdelay $0x3  }
0x9c: {  	_ =	strace s4  }
0x9d: {  	_ =	strace $0x8FFFFFFF  }
0x9e: {  	s19 =	sld [smem:$0x3FDB];
	_ =	sdelay $0x1  }
0x9f: {  	s5 =	simm.s32 $_scs_section_size  }
0xa0: {  	s6 =	simm.s32 $_size__tile_overlayer_lowered;
	s7 =	simm.s32 $_tile_overlayer_lowered  }
0xa1: {  	s22 =	simm.s32 $0x1BFF;
	s21 =	sshll.u32 s7, $0x1;
	s4 =	sadd.s32 s5, s19  }
0xa2: {  	s8 =	simm.s32 $0x0;
	s20 =	sshll.u32 s6, $0x1;
	s6 =	sadd.s32 s21, s4  }
0xa3: {  	[timem:s8], [sflag:s22] =	dma.local [hbm:s6], s20  }
0xa4: {  	_ =	swait.ge [sflag:s22], s20  }
0xa5: {  	s5 =	ssub.s32 $0x0, s20;
	[sflag:s22] =	ssyncset.done $0x0  }
0xa6: {  	[sflag:s22] =	ssyncadd.s32 s5;
	_ =	sdelay $0x1  }
0xa7: {  	s23 =	simm.s32 $0x1B8B  }
0xa8: {  	_ =	swait.ge [sflag:s23], $0x1  }
0xa9: {  	[sflag:s23] =	ssyncset.done $0x0  }
0xaa: {  	s25 =	simm.s32 $0x1B8E;
	s24 =	sld [smem:$0x3FFE];
	[sflag:s23] =	ssyncadd.s32 $0xFFFFFFFF  }
0xab: {  	s26 =	simm.s32 $execute0_lowered;
	[smem:$0x3FD2] =	sst s25  }
0xac: {  	s6 =	sshll.u32 s26, $0x1;
	_ =	strace $0x80000046;
	[dreg:$0x1] =	wrdreg $0xFFFFFFFF  }
0xad: {  	s28 =	simm.s32 $_size_execute0_lowered;
	s4 =	sadd.s32 s4, s6;
	[dreg:$0x0] =	wrdreg $0x0  }
0xae: {  	s6 =	sshll.u32 s28, $0x1;
	[dreg:$0x2] =	wrdreg s4  }
0xaf: {  	[dreg:$0x3] =	wrdreg s6  }
0xb0: {  	[dreg:$0x4] =	wrdreg $0xC0  }
0xb1: {  	_ =	task [dreg:s8], $0x5FFFF  }
0xb2: {  	[dreg:$0x1] =	wrdreg $0xFFFFFFFF  }
0xb3: {  	[dreg:$0x0] =	wrdreg $0x60  }
0xb4: {  	[dreg:$0x2] =	wrdreg s16  }
0xb5: {  	[dreg:$0x3] =	wrdreg s24  }
0xb6: {  	[dreg:$0x4] =	wrdreg s17  }
0xb7: {  	[dreg:$0x5] =	wrdreg $0x0  }
0xb8: {  	[dreg:$0x6] =	wrdreg $0x9  }
0xb9: {  	_ =	task.clear_ibuf [dreg:s8], $0x7FFFF;
	_ =	strace $0x90000046  }
0xba: {  	s29 =	simm.s32 $0x9;
	_ =	strace $0x80000048  }
0xbb: {  	_ =	swait.ge [sflag:s29], $0x1  }
0xbc: {  	[sflag:s29] =	ssyncadd.s32 $0xFFFFFFFF  }
0xbd: {  	_ =	strace $0x90000048  }
0xbe: {  	_ =	sfence  }
0xbf: {  	s30 =	sld [smem:$0x0];
	_ =	sdelay $0x2  }
0xc0: {  	s31 =	sshll.u32 s1, $0xD;
	s1 =	sshrl.u32 s1, $0x2  }
0xc1: {  	s3 =	sand.u32 $0x4000, s31;
	s1 =	sadd.s32 s1, s30  }
0xc2: {  	s0 =	sor.u32 s3, s0;
	s1 =	sshll.u32 s1, $0x11  }
0xc3: {  	s0 =	sor.u32 s1, s0  }
0xc4: {  	s0 =	sadd.s32 $0x8F2B, s0  }
0xc5: {  	[sflag:s0] =	ssyncadd.remote.s32 $0x1  }
0xc6: {  	_ =	sfence.sel $0xFFFF  }
0xc7: {  	[dreg:$0x0] =	wrdreg $0xFFFFFFFF;
	(pc) =	sbr.abs _section_cstart, $3  }
0xc8: {  	[dreg:$0x1] =	wrdreg $0xFFFFFFFF  }
0xc9: {  	_ =	task.clear_ibuf [dreg:s8], $0x2FFFF;
	_ =	strace $0x9FFFFFFF  }
0xca: {  	(tm) =	ssettm $0x7FFFFFFF  }
0xcb: {  	_ =	shalt  }
tec
execute0_lowered:
.L_overlay_start_1:
0x0: {  	(tag) =	ssettag $0x1  }
0x1: {  	s1 =	rddreg [dreg:$0x0]  }
0x2: {  	s0 =	rddreg [dreg:$0x1]  }
0x3: {  	s3 =	rddreg [dreg:$0x3]  }
0x4: {  	s2 =	simm.s32 $0x0;
	s22 =	srdreg.scid;
	s15 =	stileid.u32  }
0x5: {  	s17 =	simm.s32 $0x2;
	s19 =	simm.s32 $0x187A0;
	s20 =	simm.s32 $0x188A0  }
0x6: {  	s21 =	simm.s32 $0x189A0;
	s28 =	simm.s32 $0x18820;
	s29 =	simm.s32 $0x19AA0  }
0x7: {  	s30 =	simm.s32 $0x18920;
	s31 =	simm.s32 $0x1BAA0;
	[smem:$0x7FF] =	sst s2  }
0x8: {  	s5 =	sadd.s32 $0x2000, s0;
	s7 =	sadd.s32 $0x94A00, s0;
	s6 =	smul.u32 $0x61E80, s15  }
0x9: {  	s8 =	sadd.s32 $0x63C00, s0;
	s9 =	sadd.s32 $0xC5800, s0;
	s24 =	smul.u32 $0xC38, s15  }
0xa: {  	s2 =	sand.u32 $0x1, s22;
	s4 =	sadd.s32 $0xF6600, s0;
	s14 =	smul.u32 $0x61C00, s15  }
0xb: {  	s0 =	sadd.s32 $0xF9800, s0;
	s11 =	sshll.u32 s15, $0x6;
	s12 =	smul.u32 $0x18700, s15  }
0xc: {  	s22 =	simm.s32 $0x80;
	p0 =	seq.s32 s15, $0xF;
	_ =	strace $0x80000047  }
0xd: {  	[dreg:$0x5] =	wrdreg s4;
	s23 =	ssub.s32 $0x2, s2;
	s13 =	smul.u32 $0xC350, s2  }
0xe: {  	s2 =	smul.u32 $0x186A00, s2;
	s11 =	sor.u32 $0x1C02, s11;
	s10 =	sshrl.u32 s23, $0x1  }
0xf: {  	s6 =	sshrl.u32 s6, $0x2;
	s25 =	sshrl.u32 s14, $0x2;
	s4 =	ssub.s32 s23, s10  }
0x10: {  	s6 =	sadd.s32 s6, s3;
	s10 =	sadd.s32 s24, s13;
	s2 =	sshrl.u32 s2, $0x3  }
0x11: {  	s10 =	sshll.u32 s10, $0x2;
	s4 =	smax.u32 s4, $0x1;
	s26 =	sshrl.u32 s6, $0x3  }
0x12: {  	s6 =	simm.s32 $0x1CAA0;
	s10 =	sadd.s32 s0, s10;
	[dreg:$0x8] =	wrdreg s4  }
0x13: {  	s0 =	sadd.s32 s0, s2;
	s2 =	sadd.s32 s25, s3;
	[dreg:$0x9] =	wrdreg s26  }
0x14: {  	s25 =	simm.s32 $0x18AA0;
	s26 =	simm.s32 $0x1AAA0;
	s0 =	sadd.s32 $0x2DD20, s0  }
0x15: {  	s4 =	simm.s32 $0x0;
	[dreg:$0x7] =	wrdreg s0;
	s0 =	sadd.s32 $0x16E900, s3  }
0x16: {  	[dreg:$0x6] =	wrdreg s10;
	s24 =	sshrl.u32 @!p0 s2, $0x3;
	s0 =	sshrl.u32 @p0 s0, $0x3  }
0x17: {  	v0 =	vmov s13;
	s2 =	simm.s32 $0x1CB20;
	[dreg:$0xa] =	wrdreg s0;
	s0 =	simm.s32 $0x1  }
.LBB2_1:
0x18: {  	s10 =	rddreg [dreg:$0x5]  }
0x19: {  	s13 =	rddreg [dreg:$0x9]  }
0x1a: {  	[spmem:s13], [sflag:s11] =	dma.local [hbm:s10], $0x30F4  }
0x1b: {  	_ =	swait.ge [sflag:s17], $0x30F4  }
0x1c: {  	[sflag:s17] =	ssyncset.done $0x0  }
0x1d: {  	[sflag:s17] =	ssyncadd.s32 $0xFFFFCF0C  }
0x1e: {  	s23 =	simm.s32 $0x0;
	s14 =	simm.s32 $0x1CBA0;
	s18 =	rddreg [dreg:$0x2]  }
0x1f: {  	[tilespmem:s14], [sflag:$0x2] =	stream.linear.gather [hbm4b:s18+s23], $0x40, $0x38;
	[tilespmem:$0x1CBE0] =	vst v63  }
0x20: {  	_ =	swait.ge [sflag:s17], $0x40  }
0x21: {  	[sflag:s17] =	ssyncset.done $0x0  }
0x22: {  	[sflag:s17] =	ssyncadd.s32 $0xFFFFFFC0  }
0x23: {  	[bflag:$0x0] =	sbarrier.arrive $0xFFFF  }
0x24: {  	v1 =	vld [tilespmem:$0x1CBA0]  }
0x25: {  	v2 =	vld [tilespmem:$0x1CBB0]  }
0x26: {  	v3 =	vld [tilespmem:$0x1CBC0]  }
0x27: {  	s18 =	simm.s32 $0x0;
	v4 =	vld [tilespmem:$0x1CBD0]  }
.LBB2_2:
0x28: {  	s10 =	sshll.u32 s18, $0x8  }
0x29: {  	s10 =	sadd.s32 s12, s10  }
0x2a: {  	s13 =	sshrl.u32 s10, $0x3  }
0x2b: {  	s15 =	simm.s32 $0x0;
	s14 =	sadd.s32 s7, s13  }
0x2c: {  	[tilespmem:s19], [sflag:$0x2] =	stream.linear.gather [hbm4b:s14+s15], $0x100, $0x38;
	[tilespmem:$0x1CBE0] =	vst v63  }
0x2d: {  	_ =	swait.ge [sflag:s17], $0x100  }
0x2e: {  	[sflag:s17] =	ssyncset.done $0x0  }
0x2f: {  	s16 =	sadd.s32 s8, s13;
	[sflag:s17] =	ssyncadd.s32 $0xFFFFFF00  }
0x30: {  	[tilespmem:s20], [sflag:$0x2] =	stream.linear.gather [hbm4b:s16+s15], $0x100, $0x38;
	[tilespmem:$0x1CBE0] =	vst v63  }
0x31: {  	_ =	swait.ge [sflag:s17], $0x100  }
0x32: {  	[sflag:s17] =	ssyncset.done $0x0  }
0x33: {  	s13 =	sadd.s32 s9, s13;
	[sflag:s17] =	ssyncadd.s32 $0xFFFFFF00  }
0x34: {  	[tilespmem:s21], [sflag:$0x2] =	stream.linear.gather [hbm4b:s13+s15], $0x100, $0x38;
	[tilespmem:$0x1CBE0] =	vst v63  }
0x35: {  	_ =	swait.ge [sflag:s17], $0x100  }
0x36: {  	[sflag:s17] =	ssyncset.done $0x0  }
0x37: {  	[sflag:s17] =	ssyncadd.s32 $0xFFFFFF00  }
0x38: {  	[tilespmem:s25], [sflag:$0x1] =	stream.indirect.gather [hbm4b:s1+s22], $0x20, s19, s22, $0xb8;
	[tilespmem:$0x1CBE0] =	vst v63  }
0x39: {  	_ = 	snop  }
0x3a: {  	[tilespmem:s26], [sflag:$0x1] =	stream.indirect.gather [hbm4b:s5+s22], $0x20, s20, s22, $0xb8;
	[tilespmem:$0x1CBE0] =	vst v63  }
0x3b: {  	_ = 	snop  }
0x3c: {  	[tilespmem:s29], [sflag:$0x1] =	stream.indirect.gather [hbm4b:s1+s22], $0x20, s28, s22, $0xb8;
	[tilespmem:$0x1CBE0] =	vst v63  }
0x3d: {  	_ = 	snop  }
0x3e: {  	[tilespmem:s31], [sflag:$0x1] =	stream.indirect.gather [hbm4b:s5+s22], $0x20, s30, s22, $0xb8;
	[tilespmem:$0x1CBE0] =	vst v63  }
0x3f: {  	v5 =	vld [tilespmem:$0x188A0]  }
0x40: {  	v6 =	vld [tilespmem:$0x188B0]  }
0x41: {  	v7 =	vld [tilespmem:$0x188C0]  }
0x42: {  	v8 =	vld [tilespmem:$0x188D0]  }
0x43: {  	v9 =	vld [tilespmem:$0x188E0]  }
0x44: {  	v10 =	vld [tilespmem:$0x188F0];
	v5 =	vsub.s32 v5, v0  }
0x45: {  	v11 =	vld [tilespmem:$0x18900];
	v6 =	vsub.s32 v6, v0;
	v5 =	vmin.u32 v5, $0xC350  }
0x46: {  	[tilespmem:$0x1CAA0] =	vst v5;
	v5 =	vmin.u32 v6, $0xC350;
	v6 =	vsub.s32 v7, v0;
	v7 =	vld [tilespmem:$0x18910]  }
0x47: {  	[tilespmem:$0x1CAB0] =	vst v5;
	v5 =	vmin.u32 v6, $0xC350;
	v6 =	vsub.s32 v8, v0;
	v8 =	vld [tilespmem:$0x18920]  }
0x48: {  	v56 =	vld [tilespmem:$0x18930];
	[tilespmem:$0x1CAC0] =	vst v5;
	v5 =	vmin.u32 v6, $0xC350;
	v6 =	vsub.s32 v9, v0  }
0x49: {  	v57 =	vld [tilespmem:$0x18940];
	[tilespmem:$0x1CAD0] =	vst v5;
	v5 =	vmin.u32 v6, $0xC350;
	v6 =	vsub.s32 v10, v0  }
0x4a: {  	v58 =	vld [tilespmem:$0x18950];
	[tilespmem:$0x1CAE0] =	vst v5;
	v5 =	vmin.u32 v6, $0xC350;
	v6 =	vsub.s32 v11, v0  }
0x4b: {  	[tilespmem:$0x1CAF0] =	vst v5;
	v5 =	vmin.u32 v6, $0xC350;
	v6 =	vsub.s32 v7, v0;
	v7 =	vld [tilespmem:$0x18960]  }
0x4c: {  	[tilespmem:$0x1CB00] =	vst v5;
	v5 =	vmin.u32 v6, $0xC350;
	v6 =	vsub.s32 v8, v0;
	v8 =	vld [tilespmem:$0x18970]  }
0x4d: {  	v59 =	vld [tilespmem:$0x18980];
	[tilespmem:$0x1CB10] =	vst v5;
	v5 =	vmin.u32 v6, $0xC350;
	v6 =	vsub.s32 v56, v0  }
0x4e: {  	v60 =	vld [tilespmem:$0x18990];
	[tilespmem:$0x1CB20] =	vst v5;
	v5 =	vmin.u32 v6, $0xC350;
	v6 =	vsub.s32 v57, v0  }
0x4f: {  	[tilespmem:$0x1CB30] =	vst v5;
	v5 =	vmin.u32 v6, $0xC350;
	v6 =	vsub.s32 v58, v0  }
0x50: {  	[tilespmem:$0x1CB40] =	vst v5;
	v5 =	vmin.u32 v6, $0xC350;
	v6 =	vsub.s32 v7, v0  }
0x51: {  	[tilespmem:$0x1CB50] =	vst v5;
	v5 =	vmin.u32 v6, $0xC350;
	v6 =	vsub.s32 v8, v0  }
0x52: {  	[tilespmem:$0x1CB60] =	vst v5;
	v5 =	vmin.u32 v6, $0xC350;
	v6 =	vsub.s32 v59, v0  }
0x53: {  	[tilespmem:$0x1CB70] =	vst v5;
	v5 =	vmin.u32 v6, $0xC350;
	v6 =	vsub.s32 v60, v0  }
0x54: {  	[tilespmem:$0x1CB80] =	vst v5;
	v5 =	vmin.u32 v6, $0xC350  }
0x55: {  	[tilespmem:$0x1CB90] =	vst v5  }
0x56: {  	_ =	swait.ge [sflag:s0], $0x1000  }
0x57: {  	[sflag:s0] =	ssyncset.done $0x0  }
0x58: {  	[sflag:s0] =	ssyncadd.s32 $0xFFFFF000  }
0x59: {  	_ =	swait.ge [sflag:s0], $0x1000  }
0x5a: {  	[sflag:s0] =	ssyncset.done $0x0  }
0x5b: {  	[sflag:s0] =	ssyncadd.s32 $0xFFFFF000  }
0x5c: {  	_ =	swait.ge [sflag:s0], $0x1000  }
0x5d: {  	[sflag:s0] =	ssyncset.done $0x0  }
0x5e: {  	v5 =	vmov s15;
	[sflag:s0] =	ssyncadd.s32 $0xFFFFF000  }
0x5f: {  	_ =	swait.ge [sflag:s0], $0x1000  }
0x60: {  	[sflag:s0] =	ssyncset.done $0x0  }
0x61: {  	s10 =	simm.s32 $0x1AAB0;
	[sflag:s0] =	ssyncadd.s32 $0xFFFFF000  }
0x62: {  	v6 =	vld [tilespmem:s10+$0xFFFFFFF0]  }
0x63: {  	v5 =	vld.idx.msk [tilespmem:v5+s21+$0x0], $0xffff  }
0x64: {  	s13 =	simm.s32 $0x18AB0;
	v7 =	vld [tilespmem:s10+$0x0]  }
0x65: {  	v8 =	vld [tilespmem:s13+$0x0]  }
0x66: {  	v61 =	vld [tilespmem:s13+$0xFFFFFFF0];
	_ =	sdelay $0x2  }
0x67: {  	vm0 =	vge.f32 v5, $0.0e+00  }
0x68: {  	v7 =	vadd.f32 v7, v8;
	v62 =	vsel vm0, v1, v3;
	v63 =	vsel vm0, v2, v4  }
0x69: {  	v6 =	vadd.f32 v6, v61;
	v8 =	vmul.f32 v62, v5;
	v5 =	vmul.f32 v63, v5;
	_ =	sdelay $0x1  }
0x6a: {  	s23 =	simm.s32 $0x1;
	v6 =	vadd.f32 v8, v6;
	v8 =	vadd.f32 v7, v5  }
0x6b: {  	v5 =	vmov s23  }
0x6c: {  	s14 =	simm.s32 $0x1AAB0;
	s15 =	simm.s32 $0x2;
	v7 =	vmax.f32 v6, $0.0e+00;
	v6 =	vmax.f32 v8, $0.0e+00  }
.LBB2_3:
0x6d: {  	s13 =	sadd.s32 $0x20, s13  }
0x6e: {  	[tilespmem:s10+$0xFFFFFFF0] =	vst v7;
	s14 =	sadd.s32 $0x20, s14;
	s16 =	smov.u32 s15;
	s23 =	sadd.s32 $0x1, s15  }
0x6f: {  	p1 =	sne.s32 s15, $0xFF;
	v7 =	vld [tilespmem:s14+$0xFFFFFFF0];
	[tilespmem:s10+$0x0] =	vst v6;
	s10 =	smov.u32 s14  }
0x70: {  	v5 =	vld.idx.msk [tilespmem:v5+s21+$0x0], $0xffff  }
0x71: {  	v6 =	vld [tilespmem:s14+$0x0]  }
0x72: {  	v8 =	vld [tilespmem:s13+$0x0]  }
0x73: {  	v9 =	vld [tilespmem:s13+$0xFFFFFFF0];
	_ =	sdelay $0x2  }
0x74: {  	vm0 =	vge.f32 v5, $0.0e+00  }
0x75: {  	v10 =	vsel vm0, v1, v3;
	v11 =	vsel vm0, v2, v4;
	v6 =	vadd.f32 v6, v8  }
.Ltmp0:
0x76: {  	v8 =	vmul.f32 v10, v5;
	v10 =	vmul.f32 v11, v5;
	v7 =	vadd.f32 v7, v9;
	(pc) =	sbr.rel @p1 .LBB2_3-.Ltmp0, $3  }
0x77: {  	_ = 	snop  }
0x78: {  	v5 =	vmov s16;
	v6 =	vadd.f32 v6, v10;
	v7 =	vadd.f32 v8, v7;
	_ =	sdelay $0x1  }
0x79: {  	s15 =	smov.u32 s23;
	v6 =	vmax.f32 v6, $0.0e+00;
	v7 =	vmax.f32 v7, $0.0e+00  }
0x7a: {  	_ =	sdelay $0x1  }
0x7b: {  	[tilespmem:s10+$0xFFFFFFF0] =	vst v7;
	s14 =	sadd.s32 $0x20, s14  }
0x7c: {  	v7 =	vld [tilespmem:s14+$0xFFFFFFF0];
	[tilespmem:s10+$0x0] =	vst v6  }
0x7d: {  	v5 =	vld.idx.msk [tilespmem:v5+s21+$0x0], $0xffff  }
0x7e: {  	s23 =	sadd.s32 $0x20, s13;
	v6 =	vld [tilespmem:s14+$0x0]  }
0x7f: {  	v8 =	vld [tilespmem:s23+$0xFFFFFFF0]  }
0x80: {  	v9 =	vld [tilespmem:s23+$0x0];
	_ =	sdelay $0x1  }
0x81: {  	vm0 =	vge.f32 v5, $0.0e+00  }
0x82: {  	v10 =	vsel vm0, v1, v3  }
0x83: {  	v7 =	vadd.f32 v7, v8;
	v11 =	vsel vm0, v2, v4;
	v10 =	vmul.f32 v10, v5  }
0x84: {  	v6 =	vadd.f32 v6, v9;
	v5 =	vmul.f32 v11, v5  }
0x85: {  	v7 =	vadd.f32 v10, v7  }
0x86: {  	v5 =	vadd.f32 v6, v5  }
0x87: {  	v6 =	vmax.f32 v7, $0.0e+00  }
0x88: {  	v5 =	vmax.f32 v5, $0.0e+00;
	[tilespmem:s14+$0xFFFFFFF0] =	vst v6  }
0x89: {  	[tilespmem:s14+$0x0] =	vst v5  }
0x8a: {  	[spmem:s3] =	stream.indirect.scatter.add.f32 [tilespmem:s26], [sflag:$0x2], $0x20, s6, s22, $0xb8;
	[tilespmem:$0x1CBE0] =	vst v63  }
0x8b: {  	s18 =	sadd.s32 $0x1, s18;
	_ =	swait.ge [sflag:s17], $0x1000  }
0x8c: {  	p1 =	sne.s32 s18, $0x187;
	[sflag:s17] =	ssyncset.done $0x0  }
.Ltmp1:
0x8d: {  	[sflag:s17] =	ssyncadd.s32 $0xFFFFF000;
	(pc) =	sbr.rel @p1 .LBB2_2-.Ltmp1, $4  }
0x8e: {  	[spmem:s3] =	stream.indirect.scatter.add.f32 [tilespmem:s31], [sflag:$0x2], $0x20, s2, s22, $0xb8;
	[tilespmem:$0x1CBE0] =	vst v63  }
0x8f: {  	_ =	swait.ge [sflag:s17], $0x1000  }
0x90: {  	[sflag:s17] =	ssyncset.done $0x0  }
0x91: {  	[sflag:s17] =	ssyncadd.s32 $0xFFFFF000  }
0x92: {  	[bflag:$0x0] =	sbarrier.arrive $0xFFFF  }
0x93: {  	s10 =	rddreg [dreg:$0x7]  }
0x94: {  	s13 =	rddreg [dreg:$0xa]  }
0x95: {  	[hbm:s10], [sflag:s11] =	dma.local @p0 [spmem:s13], $0x3020  }
0x96: {  	s10 =	simm.s32 @p0 $0x2  }
0x97: {  	_ =	swait.ge @p0 [sflag:s10], $0x3020  }
0x98: {  	[sflag:s10] =	ssyncset.done @p0 $0x0  }
0x99: {  	[sflag:s10] =	ssyncadd.s32 @p0 $0xFFFFCFE0;
	s10 =	rddreg [dreg:$0x6]  }
0x9a: {  	[hbm:s10], [sflag:s11] =	dma.local @!p0 [spmem:s24], $0x30E0  }
0x9b: {  	s10 =	simm.s32 @!p0 $0x2  }
0x9c: {  	_ =	swait.ge @!p0 [sflag:s10], $0x30E0  }
0x9d: {  	s4 =	sadd.s32 $0x1, s4;
	s23 =	rddreg [dreg:$0x8]  }
0x9e: {  	p1 =	sne.s32 s4, s23  }
.Ltmp2:
0x9f: {  	_ = 	snop;
	(pc) =	sbr.rel @p1 .LBB2_1-.Ltmp2, $3  }
0xa0: {  	_ =	sdelay $0x1  }
0xa1: {  	[sflag:s10] =	ssyncset.done @!p0 $0x0  }
0xa2: {  	[sflag:s10] =	ssyncadd.s32 @!p0 $0xFFFFCF20  }
0xa3: {  	_ =	sfence.sel $0x180000  }
0xa4: {  	[bflag:$0x0] =	sbarrier.arrive $0xFFFF  }
0xa5: {  	_ =	strace $0x90000047  }
0xa6: {  	s0 =	stileid.u32;
	[bflag:$0x2] =	sbarrier.arrive $0xFFFF  }
0xa7: {  	p0 =	sne.s32 s0, $0x0;
	s0 =	rddreg [dreg:$0x4]  }
0xa8: {  	s0 =	sadd.s32 @!p0 $0x100000, s0  }
0xa9: {  	[sflag:s0] =	ssyncadd.tile.s32 @!p0 $0x1;
	_ =	shalt  }
.Lfunc_end2:
_tile_overlayer_lowered:
.L_overlay_start_2:
0xaa: {  	(tag) =	ssettag $0x2  }
0xab: {  	s0 =	rddreg [dreg:$0x0];
	s2 =	stileid.u32  }
0xac: {  	s1 =	rddreg [dreg:$0x1];
	p0 =	sne.s32 s2, $0x0  }
0xad: {  	s3 =	rddreg [dreg:$0x2];
	[bflag:$0x3] =	sbarrier.arrive $0xFFFF;
	s2 =	simm.s32 @!p0 $0x1C02  }
0xae: {  	[timem:s3], [sflag:s2] =	dma.local @!p0 [hbm:s0], s1  }
0xaf: {  	s0 =	simm.s32 @!p0 $0x2  }
0xb0: {  	_ =	swait.ge @!p0 [sflag:s0], s1  }
0xb1: {  	s1 =	ssub.s32 @!p0 $0x0, s1;
	[sflag:s0] =	ssyncset.done @!p0 $0x0  }
0xb2: {  	[sflag:s0] =	ssyncadd.s32 @!p0 s1  }
0xb3: {  	[bflag:$0x3] =	sbarrier.arrive $0xFFFF  }
0xb4: {  	_ =	shalt  }

</sc_bundles>
